<compile_context>
chip_gen: v7x
topology: tpu7x:2x2x1
jax: 0.10.2.dev20260603
libtpu: 0.0.44.dev20260713+nightly
codegen_flags: <defaults>
</compile_context>

<pallas_src>
import functools

import jax
import jax.numpy as jnp
from jax import lax
from jax.experimental import pallas as pl
from jax.experimental.pallas import tpu as pltpu
from jax.experimental.pallas import tpu_sc as plsc

_PERCENT_T = 0.02
_ROWS_PER_BLOCK = 8
_H_BLK = 96

_NBINS = 8192
_BIN_SHIFT = 19
_CHUNK_H = 96


def _sc_stats_kernel(x_hbm, out_hbm, buf, counts, sums, outbuf, sem0, sem1,
                     *, k, rows_per_worker, h, w):
    cid = lax.axis_index("c")
    sid = lax.axis_index("s")
    wid = sid * 2 + cid
    n_chunks = h // _CHUNK_H
    ki = jnp.int32(k)
    ones_i = jnp.ones((16,), jnp.int32)

    def row_body(rr, _):
        row = wid * rows_per_worker + rr

        def dma(c, bref, sem):
            return pltpu.make_async_copy(
                x_hbm.at[row, pl.ds(c * _CHUNK_H, _CHUNK_H), :], bref, sem)

        def zero_body(i):
            counts[pl.ds(i * 16, 16)] = jnp.zeros((16,), jnp.int32)
            sums[pl.ds(i * 16, 16)] = jnp.zeros((16,), jnp.float32)

        plsc.parallel_loop(0, _NBINS // 16, unroll=4)(zero_body)

        def proc(bref, carry):
            def outer_i(i, car):
                rm, bm = car
                for uix in range(w // 16):
                    v = bref[i, pl.ds(uix * 16, 16)]
                    u = plsc.bitcast(v, jnp.int32)
                    s = u ^ ((u >> 31) | jnp.int32(-2147483648))
                    bin_ = lax.shift_right_logical(s, _BIN_SHIFT)
                    plsc.addupdate_scatter(counts, [bin_], ones_i)
                    plsc.addupdate_scatter(sums, [bin_], v)
                    rm = jnp.maximum(rm, v)
                    bm = jnp.maximum(bm, bin_)
                return (rm, bm)

            return lax.fori_loop(0, _CHUNK_H, outer_i, carry)

        dma(0, buf.at[0], sem0).start()

        def pair_body(p, carry):
            base = 2 * p
            dma(base + 1, buf.at[1], sem1).start()
            dma(base, buf.at[0], sem0).wait()
            carry = proc(buf.at[0], carry)

            @pl.when(base + 2 < n_chunks)
            def _():
                dma(base + 2, buf.at[0], sem0).start()

            dma(base + 1, buf.at[1], sem1).wait()
            return proc(buf.at[1], carry)

        init = (jnp.full((16,), -3.0e38, jnp.float32),
                jnp.zeros((16,), jnp.int32))
        runmax, binmax = lax.fori_loop(0, n_chunks // 2, pair_body, init)
        rowmax = lax.reduce_max(runmax, (0,))
        g_start = lax.reduce_max(binmax, (0,)) // 16

        def scan_cond(st):
            g, cnt, sm, pc, ps = st
            return cnt < ki

        def scan_body(st):
            g, cnt, sm, pc, ps = st
            cv = counts[pl.ds(g * 16, 16)]
            sv = sums[pl.ds(g * 16, 16)]
            return (g - 1,
                    cnt + lax.reduce_sum(cv, (0,)),
                    sm + lax.reduce_sum(sv, (0,)),
                    cnt, sm)

        st0 = (g_start, jnp.int32(0), jnp.float32(0.0), jnp.int32(0), jnp.float32(0.0))
        g_end, cnt_t, sm_t, prev_c, prev_s = lax.while_loop(scan_cond, scan_body, st0)

        gb = g_end + 1
        cv = counts[pl.ds(gb * 16, 16)]
        sv = sums[pl.ds(gb * 16, 16)]
        rcv = lax.rev(cv, (0,))
        rsv = lax.rev(sv, (0,))
        ccum = lax.cumsum(rcv, axis=0)
        scum = lax.cumsum(rsv, axis=0)
        crossed = (prev_c + ccum) >= ki
        t = jnp.int32(16) - plsc.all_reduce_population_count(crossed)
        onehot = lax.iota(jnp.int32, 16) == t

        def sel_i(vec):
            return lax.reduce_sum(jnp.where(onehot, vec, 0), (0,))

        def sel_f(vec):
            return lax.reduce_sum(jnp.where(onehot, vec, 0.0), (0,))

        cb = sel_i(rcv)
        sb = sel_f(rsv)
        m_above = prev_c + sel_i(ccum) - cb
        s_above = prev_s + sel_f(scum) - sb
        k2 = (ki - m_above).astype(jnp.float32)

        bmv = jnp.full((16,), sb) / jnp.full((16,), cb.astype(jnp.float32))
        avg_v = (jnp.full((16,), s_above) + jnp.full((16,), k2) * bmv) * (
            jnp.float32(1.0 / k))
        lanes = lax.iota(jnp.int32, 16)
        dbg = [avg_v,
               jnp.full((16,), rowmax),
               jnp.full((16,), g_start.astype(jnp.float32)),
               jnp.full((16,), (g_end + 1).astype(jnp.float32)),
               jnp.full((16,), prev_c.astype(jnp.float32)),
               jnp.full((16,), prev_s),
               jnp.full((16,), cnt_t.astype(jnp.float32)),
               jnp.full((16,), sm_t),
               jnp.full((16,), cb.astype(jnp.float32)),
               jnp.full((16,), sb),
               jnp.full((16,), m_above.astype(jnp.float32)),
               jnp.full((16,), s_above),
               jnp.full((16,), k2)]
        out_v = jnp.zeros((16,), jnp.float32)
        for ln, val in enumerate(dbg):
            out_v = jnp.where(lanes == ln, val, out_v)
        outbuf[...] = out_v
        pltpu.sync_copy(outbuf, out_hbm.at[row])
        return 0

    lax.fori_loop(0, rows_per_worker, row_body, 0)


def _make_sc_stats(R_sc, H, Wd, k):
    mesh = plsc.VectorSubcoreMesh(core_axis_name="c", subcore_axis_name="s")
    return functools.partial(
        pl.kernel,
        mesh=mesh,
        compiler_params=pltpu.CompilerParams(needs_layout_passes=False),
        out_type=jax.ShapeDtypeStruct((R_sc, 16), jnp.float32),
        scratch_types=[
            pltpu.VMEM((2, _CHUNK_H, Wd), jnp.float32),
            pltpu.VMEM((_NBINS,), jnp.int32),
            pltpu.VMEM((_NBINS,), jnp.float32),
            pltpu.VMEM((16,), jnp.float32),
            pltpu.SemaphoreType.DMA,
            pltpu.SemaphoreType.DMA,
        ],
    )(functools.partial(_sc_stats_kernel, k=k, rows_per_worker=R_sc // 32,
                        h=H, w=Wd))


def _tc_stats_kernel(x_ref, out_ref, *, k):
    x = x_ref[...]
    rowmax = jnp.max(x, axis=(1, 2), keepdims=True)
    rowmin = jnp.min(x, axis=(1, 2), keepdims=True)
    lo = rowmin - 1.0
    hi = rowmax
    kf = jnp.float32(k)

    def body(_, carry):
        lo, hi = carry
        mid = 0.5 * (lo + hi)
        m = jnp.sum((x > mid).astype(jnp.float32), axis=(1, 2), keepdims=True)
        pred = m >= kf
        lo = jnp.where(pred, mid, lo)
        hi = jnp.where(pred, hi, mid)
        return lo, hi

    lo, hi = lax.fori_loop(0, 10, body, (lo, hi))
    mask = x > hi
    m_hi = jnp.sum(mask.astype(jnp.float32), axis=(1, 2), keepdims=True)
    s_hi = jnp.sum(jnp.where(mask, x, 0.0), axis=(1, 2), keepdims=True)
    sum_est = s_hi + (kf - m_hi) * 0.5 * (lo + hi)
    avg = sum_est / kf
    out_ref[...] = jnp.concatenate([avg, rowmax], axis=2)[:, 0, :]


def _mlp_kernel(avg_ref, max_ref, w1_ref, b1_ref, w2_ref, b2_ref, scale_ref):
    w1 = w1_ref[...]
    b1 = b1_ref[...]
    w2 = w2_ref[...]
    b2 = b2_ref[...]

    def mlp(p):
        h = jnp.dot(p, w1.T, preferred_element_type=jnp.float32) + b1
        h = jnp.maximum(h, 0.0)
        return jnp.dot(h, w2.T, preferred_element_type=jnp.float32) + b2

    att = mlp(avg_ref[...]) + mlp(max_ref[...])
    scale_ref[...] = jax.nn.sigmoid(att)


def _scale_kernel(x_ref, s_ref, o_ref):
    o_ref[...] = x_ref[...] * s_ref[...]


def kernel(x, W1, b1, W2, b2):
    B, C, H, Wd = x.shape
    N = H * Wd
    R = B * C
    k = int(round(N * _PERCENT_T))
    x3 = x.reshape(R, H, Wd)

    r_sc = 160
    rows = _ROWS_PER_BLOCK
    pools_sc = _make_sc_stats(r_sc, H, Wd, k)(x3)

    n_tc = R - r_sc
    off = r_sc // rows
    pools_tc = pl.pallas_call(
        functools.partial(_tc_stats_kernel, k=k),
        grid=(n_tc // rows,),
        in_specs=[pl.BlockSpec((rows, H, Wd), lambda i: (i + off, 0, 0))],
        out_specs=pl.BlockSpec((rows, 2), lambda i: (i, 0)),
        out_shape=jax.ShapeDtypeStruct((n_tc, 2), jnp.float32),
    )(x3)

    avg_pool = jnp.concatenate([pools_sc[:, 0], pools_tc[:, 0]]).reshape(B, C)
    max_pool = jnp.concatenate([pools_sc[:, 1], pools_tc[:, 1]]).reshape(B, C)

    scale = pl.pallas_call(
        _mlp_kernel,
        out_shape=jax.ShapeDtypeStruct((B, C), jnp.float32),
    )(avg_pool, max_pool, W1, b1.reshape(1, -1), W2, b2.reshape(1, -1))

    scale3 = scale.reshape(R, 1, 1)
    hb = _H_BLK if H % _H_BLK == 0 else H
    rows = _ROWS_PER_BLOCK
    y = pl.pallas_call(
        _scale_kernel,
        grid=(R // rows, H // hb),
        in_specs=[
            pl.BlockSpec((rows, hb, Wd), lambda i, j: (i, j, 0)),
            pl.BlockSpec((rows, 1, 1), lambda i, j: (i, 0, 0)),
        ],
        out_specs=pl.BlockSpec((rows, hb, Wd), lambda i, j: (i, j, 0)),
        out_shape=jax.ShapeDtypeStruct((R, H, Wd), jnp.float32),
    )(x3, scale3)

    return y.reshape(B, C, H, Wd)

# --- scband reference (transcript-rebuilt; emitter-appended) ---
"""Pipeline reference for scband-top-tpercent-channel-gate-22866405883929 (READ-ONLY COPY).

The authoritative reference and input builder live on the scoring server;
editing this copy changes nothing except your own understanding.
"""

import jax, jax.numpy as jnp
import numpy as np

PERCENT_T = 0.02


def setup_inputs(seed: int = 0) -> dict:
    key = jax.random.key(seed)
    k1, k2, k3 = jax.random.split(key, 3)
    B, C, H, W = 4, 192, 384, 384
    R = 16
    Ch = C // R
    x = jax.random.normal(k1, (B, C, H, W), dtype=jnp.float32)
    W1 = jax.random.normal(k2, (Ch, C), dtype=jnp.float32) * (1.0 / np.sqrt(C))
    b1 = jnp.zeros((Ch,), dtype=jnp.float32)
    W2 = jax.random.normal(k3, (C, Ch), dtype=jnp.float32) * (1.0 / np.sqrt(Ch))
    b2 = jnp.zeros((C,), dtype=jnp.float32)
    return {"x": x, "W1": W1, "b1": b1, "W2": W2, "b2": b2}


def _mlp(pool, W1, b1, W2, b2):
    # Flatten() then Linear -> ReLU -> Linear, matching the torch nn.Sequential
    flat = pool.reshape(pool.shape[0], -1)
    h = jax.nn.relu(flat @ W1.T + b1)
    return h @ W2.T + b2


def reference(x, W1, b1, W2, b2):
    b, c, H, W = x.shape
    x_flat = x.reshape(b, c, -1)
    top_t = int(round(x_flat.shape[2] * PERCENT_T))
    channel_att_sum = None
    for pool_type in ["avg", "max"]:
        selected_values, _ = jax.lax.top_k(x_flat, top_t)
        if pool_type == "avg":
            pool = jnp.mean(selected_values, axis=2, keepdims=True)
        else:
            pool = jnp.max(selected_values, axis=2, keepdims=True)
        channel_att_raw = _mlp(pool, W1, b1, W2, b2)
        if channel_att_sum is None:
            channel_att_sum = channel_att_raw
        else:
            channel_att_sum = channel_att_sum + channel_att_raw
    scale = jax.nn.sigmoid(channel_att_sum)[:, :, None, None]
    return x * scale

if __name__ == "__main__":
    import jax
    _d = setup_inputs()
    print(jax.jit(kernel)(*tuple(_d.values())))

</pallas_src>

<mosaic_0001>
#map = affine_map<(d0, d1) -> (0, 0, 0)>
#map1 = affine_map<(d0, d1) -> (0, 0)>
module attributes {stable_mosaic.version = 14 : i64} {
  func.func @_sc_stats_kernel(%arg0: i32, %arg1: i32, %arg2: memref<768x384x384xf32, #tpu.memory_space<hbm>>, %arg3: memref<160x16xf32, #tpu.memory_space<hbm>>, %arg4: memref<2x96x384xf32, #tpu.memory_space<vmem>>, %arg5: memref<8192xi32, #tpu.memory_space<vmem>>, %arg6: memref<8192xf32, #tpu.memory_space<vmem>>, %arg7: memref<16xf32, #tpu.memory_space<vmem>>, %arg8: memref<!tpu.dma_semaphore, #tpu.memory_space<semaphore_mem>>, %arg9: memref<!tpu.dma_semaphore, #tpu.memory_space<semaphore_mem>>) attributes {dimension_semantics = [#tpu.dimension_semantics<core_parallel>, #tpu.dimension_semantics<subcore_parallel>], iteration_bounds = array<i64: 2, 16>, scalar_prefetch = 0 : i64, scratch_operands = 6 : i64, tpu.core_type = #tpu.core_type<sc_vector_subcore>, window_params = [{transform_indices = #map}, {transform_indices = #map1}]} {
    %mul3A = arith.constant 2 : i32
    %mul3A_0 = arith.muli %arg1, %mul3A : i32
    %add3A = arith.addi %mul3A_0, %arg0 : i32
    %broadcast_in_dim3A = arith.constant 1 : i32
    %broadcast_in_dim3A_1 = vector.broadcast %broadcast_in_dim3A : i32 to vector<16xi32>
    %scan3A = arith.constant 2949 : i32
    %scan3A_2 = arith.constant 0 : i32
    %scan3A_3 = arith.constant 0 : i32
    %scan3A_4 = arith.constant 5 : i32
    %scan3A_5 = arith.addi %scan3A_3, %scan3A_4 : i32
    %scan3A_6 = arith.constant 1 : i32
    %scan3A_7 = scf.for %scan3A_9 = %scan3A_3 to %scan3A_5 step %scan3A_6 iter_args(%scan3A_10 = %scan3A_2) -> (i32)  : i32 {
      %mul3A_11 = arith.constant 5 : i32
      %mul3A_12 = arith.muli %add3A, %mul3A_11 : i32
      %add3A_13 = arith.addi %mul3A_12, %scan3A_9 : i32
      %parallel_loop3A = arith.constant 0 : i32
      %parallel_loop3A_14 = arith.constant 512 : i32
      %parallel_loop3A_15 = arith.constant 1 : i32
      scf.for %parallel_loop3A_222 = %parallel_loop3A to %parallel_loop3A_14 step %parallel_loop3A_15  : i32 {
        %parallel_loop3A_223 = arith.constant 0 : i32
        %parallel_loop3A_224 = vector.broadcast %parallel_loop3A_223 : i32 to vector<16xi32>
        %parallel_loop3A_225 = arith.constant 16 : i32
        %parallel_loop3A_226 = arith.muli %parallel_loop3A_222, %parallel_loop3A_225 : i32
        %parallel_loop3A_227 = arith.index_cast %parallel_loop3A_226 : i32 to index
        %parallel_loop3A_228 = tpu.vector_load %arg5[%parallel_loop3A_227] {strides = array<i32>} : memref<8192xi32, #tpu.memory_space<vmem>>, vector<16xi32>,
        tpu.vector_store %arg5[%parallel_loop3A_227], %parallel_loop3A_224 {strides = array<i32>} : memref<8192xi32, #tpu.memory_space<vmem>>, vector<16xi32>,
        %parallel_loop3A_229 = arith.constant 0.000000e+00 : f32
        %parallel_loop3A_230 = vector.broadcast %parallel_loop3A_229 : f32 to vector<16xf32>
        %parallel_loop3A_231 = arith.constant 16 : i32
        %parallel_loop3A_232 = arith.muli %parallel_loop3A_222, %parallel_loop3A_231 : i32
        %parallel_loop3A_233 = arith.index_cast %parallel_loop3A_232 : i32 to index
        %parallel_loop3A_234 = tpu.vector_load %arg6[%parallel_loop3A_233] {strides = array<i32>} : memref<8192xf32, #tpu.memory_space<vmem>>, vector<16xf32>,
        tpu.vector_store %arg6[%parallel_loop3A_233], %parallel_loop3A_230 {strides = array<i32>} : memref<8192xf32, #tpu.memory_space<vmem>>, vector<16xf32>,
      } {sc.loop_unroll_factor = 4 : i64, sc.parallel_access}
      %dma_start3A = arith.constant 0 : i32
      %dma_start3A_16 = arith.constant 0 : i32
      %dma_start3A_17 = arith.constant 0 : i32
      %dma_start3A_18 = tpu.memref_slice %arg4[%dma_start3A, %dma_start3A_16, %dma_start3A_17] : memref<2x96x384xf32, #tpu.memory_space<vmem>> -> memref<1x96x384xf32, #tpu.memory_space<vmem>>
      %dma_start3A_19 = tpu.memref_squeeze %dma_start3A_18 : memref<1x96x384xf32, #tpu.memory_space<vmem>> -> memref<96x384xf32, #tpu.memory_space<vmem>>
      %dma_start3A_20 = arith.constant 0 : i32
      %dma_start3A_21 = arith.constant 0 : i32
      %dma_start3A_22 = tpu.memref_slice %arg2[%add3A_13, %dma_start3A_20, %dma_start3A_21] : memref<768x384x384xf32, #tpu.memory_space<hbm>> -> memref<1x96x384xf32, #tpu.memory_space<hbm>>
      %dma_start3A_23 = tpu.memref_squeeze %dma_start3A_22 : memref<1x96x384xf32, #tpu.memory_space<hbm>> -> memref<96x384xf32, #tpu.memory_space<hbm>>
      %dma_start3A_24 = arith.constant 0 : i32
      %dma_start3A_25 = arith.constant 0 : i32
      %dma_start3A_26 = tpu.memref_slice %arg4[%dma_start3A, %dma_start3A_24, %dma_start3A_25] : memref<2x96x384xf32, #tpu.memory_space<vmem>> -> memref<1x96x384xf32, #tpu.memory_space<vmem>>
      %dma_start3A_27 = tpu.memref_squeeze %dma_start3A_26 : memref<1x96x384xf32, #tpu.memory_space<vmem>> -> memref<96x384xf32, #tpu.memory_space<vmem>>
      %dma_start3A_28 = arith.constant 0 : i32
      %dma_start3A_29 = arith.constant 0 : i32
      %dma_start3A_30 = tpu.memref_slice %arg2[%add3A_13, %dma_start3A_28, %dma_start3A_29] : memref<768x384x384xf32, #tpu.memory_space<hbm>> -> memref<1x96x384xf32, #tpu.memory_space<hbm>>
      %dma_start3A_31 = tpu.memref_squeeze %dma_start3A_30 : memref<1x96x384xf32, #tpu.memory_space<hbm>> -> memref<96x384xf32, #tpu.memory_space<hbm>>
      tpu.enqueue_dma source(%dma_start3A_31 : memref<96x384xf32, #tpu.memory_space<hbm>>) target(%dma_start3A_27 : memref<96x384xf32, #tpu.memory_space<vmem>>) target_semaphore(%arg8 : memref<!tpu.dma_semaphore, #tpu.memory_space<semaphore_mem>>)
      %broadcast_in_dim3A_32 = arith.constant -3.000000e+38 : f32
      %broadcast_in_dim3A_33 = vector.broadcast %broadcast_in_dim3A_32 : f32 to vector<16xf32>
      %broadcast_in_dim3A_34 = arith.constant 0 : i32
      %broadcast_in_dim3A_35 = vector.broadcast %broadcast_in_dim3A_34 : i32 to vector<16xi32>
      %scan3A_36 = arith.constant 0 : i32
      %scan3A_37 = arith.constant 2 : i32
      %scan3A_38 = arith.addi %scan3A_36, %scan3A_37 : i32
      %scan3A_39 = arith.constant 1 : i32
      %scan3A_40:2 = scf.for %scan3A_222 = %scan3A_36 to %scan3A_38 step %scan3A_39 iter_args(%scan3A_223 = %broadcast_in_dim3A_33, %scan3A_224 = %broadcast_in_dim3A_35) -> (vector<16xf32>, vector<16xi32>)  : i32 {
        %mul3A_225 = arith.constant 2 : i32
        %mul3A_226 = arith.muli %mul3A_225, %scan3A_222 : i32
        %add3A_227 = arith.constant 1 : i32
        %add3A_228 = arith.addi %mul3A_226, %add3A_227 : i32
        %mul3A_229 = arith.constant 96 : i32
        %mul3A_230 = arith.muli %add3A_228, %mul3A_229 : i32
        %dma_start3A_231 = arith.constant 1 : i32
        %dma_start3A_232 = arith.constant 0 : i32
        %dma_start3A_233 = arith.constant 0 : i32
        %dma_start3A_234 = tpu.memref_slice %arg4[%dma_start3A_231, %dma_start3A_232, %dma_start3A_233] : memref<2x96x384xf32, #tpu.memory_space<vmem>> -> memref<1x96x384xf32, #tpu.memory_space<vmem>>
        %dma_start3A_235 = tpu.memref_squeeze %dma_start3A_234 : memref<1x96x384xf32, #tpu.memory_space<vmem>> -> memref<96x384xf32, #tpu.memory_space<vmem>>
        %dma_start3A_236 = arith.constant 0 : i32
        %dma_start3A_237 = tpu.memref_slice %arg2[%add3A_13, %mul3A_230, %dma_start3A_236] : memref<768x384x384xf32, #tpu.memory_space<hbm>> -> memref<1x96x384xf32, #tpu.memory_space<hbm>>
        %dma_start3A_238 = tpu.memref_squeeze %dma_start3A_237 : memref<1x96x384xf32, #tpu.memory_space<hbm>> -> memref<96x384xf32, #tpu.memory_space<hbm>>
        %dma_start3A_239 = arith.constant 0 : i32
        %dma_start3A_240 = arith.constant 0 : i32
        %dma_start3A_241 = tpu.memref_slice %arg4[%dma_start3A_231, %dma_start3A_239, %dma_start3A_240] : memref<2x96x384xf32, #tpu.memory_space<vmem>> -> memref<1x96x384xf32, #tpu.memory_space<vmem>>
        %dma_start3A_242 = tpu.memref_squeeze %dma_start3A_241 : memref<1x96x384xf32, #tpu.memory_space<vmem>> -> memref<96x384xf32, #tpu.memory_space<vmem>>
        %dma_start3A_243 = arith.constant 0 : i32
        %dma_start3A_244 = tpu.memref_slice %arg2[%add3A_13, %mul3A_230, %dma_start3A_243] : memref<768x384x384xf32, #tpu.memory_space<hbm>> -> memref<1x96x384xf32, #tpu.memory_space<hbm>>
        %dma_start3A_245 = tpu.memref_squeeze %dma_start3A_244 : memref<1x96x384xf32, #tpu.memory_space<hbm>> -> memref<96x384xf32, #tpu.memory_space<hbm>>
        tpu.enqueue_dma source(%dma_start3A_245 : memref<96x384xf32, #tpu.memory_space<hbm>>) target(%dma_start3A_242 : memref<96x384xf32, #tpu.memory_space<vmem>>) target_semaphore(%arg9 : memref<!tpu.dma_semaphore, #tpu.memory_space<semaphore_mem>>)
        %mul3A_246 = arith.constant 96 : i32
        %mul3A_247 = arith.muli %mul3A_226, %mul3A_246 : i32
        %dma_wait3A = arith.constant 0 : i32
        %dma_wait3A_248 = arith.constant 0 : i32
        %dma_wait3A_249 = arith.constant 0 : i32
        %dma_wait3A_250 = tpu.memref_slice %arg4[%dma_wait3A, %dma_wait3A_248, %dma_wait3A_249] : memref<2x96x384xf32, #tpu.memory_space<vmem>> -> memref<1x96x384xf32, #tpu.memory_space<vmem>>
        %dma_wait3A_251 = tpu.memref_squeeze %dma_wait3A_250 : memref<1x96x384xf32, #tpu.memory_space<vmem>> -> memref<96x384xf32, #tpu.memory_space<vmem>>
        %dma_wait3A_252 = arith.constant 0 : i32
        %dma_wait3A_253 = tpu.memref_slice %arg2[%add3A_13, %mul3A_247, %dma_wait3A_252] : memref<768x384x384xf32, #tpu.memory_space<hbm>> -> memref<1x96x384xf32, #tpu.memory_space<hbm>>
        %dma_wait3A_254 = tpu.memref_squeeze %dma_wait3A_253 : memref<1x96x384xf32, #tpu.memory_space<hbm>> -> memref<96x384xf32, #tpu.memory_space<hbm>>
        %dma_wait3A_255 = arith.constant 0 : i32
        %dma_wait3A_256 = arith.constant 0 : i32
        %dma_wait3A_257 = tpu.memref_slice %arg4[%dma_wait3A, %dma_wait3A_255, %dma_wait3A_256] : memref<2x96x384xf32, #tpu.memory_space<vmem>> -> memref<1x96x384xf32, #tpu.memory_space<vmem>>
        %dma_wait3A_258 = tpu.memref_squeeze %dma_wait3A_257 : memref<1x96x384xf32, #tpu.memory_space<vmem>> -> memref<96x384xf32, #tpu.memory_space<vmem>>
        %dma_wait3A_259 = arith.constant 0 : i32
        %dma_wait3A_260 = tpu.memref_slice %arg2[%add3A_13, %mul3A_247, %dma_wait3A_259] : memref<768x384x384xf32, #tpu.memory_space<hbm>> -> memref<1x96x384xf32, #tpu.memory_space<hbm>>
        %dma_wait3A_261 = tpu.memref_squeeze %dma_wait3A_260 : memref<1x96x384xf32, #tpu.memory_space<hbm>> -> memref<96x384xf32, #tpu.memory_space<hbm>>
        tpu.wait_dma2 semaphore(%arg8 : memref<!tpu.dma_semaphore, #tpu.memory_space<semaphore_mem>>) src(%dma_wait3A_261 : memref<96x384xf32, #tpu.memory_space<hbm>>) dst(%dma_wait3A_258 : memref<96x384xf32, #tpu.memory_space<vmem>>)
        %scan3A_262 = arith.constant 0 : i32
        %scan3A_263 = arith.constant 0 : i32
        %scan3A_264 = arith.constant 96 : i32
        %scan3A_265 = arith.addi %scan3A_263, %scan3A_264 : i32
        %scan3A_266 = arith.constant 1 : i32
        %scan3A_267:2 = scf.for %scan3A_300 = %scan3A_263 to %scan3A_265 step %scan3A_266 iter_args(%scan3A_301 = %scan3A_223, %scan3A_302 = %scan3A_224) -> (vector<16xf32>, vector<16xi32>)  : i32 {
          %get3A_303 = arith.constant 0 : i32
          %get3A_304 = arith.constant 0 : i32
          %get3A_305 = tpu.memref_slice %arg4[%scan3A_262, %get3A_303, %get3A_304] : memref<2x96x384xf32, #tpu.memory_space<vmem>> -> memref<1x96x384xf32, #tpu.memory_space<vmem>>
          %get3A_306 = tpu.memref_squeeze %get3A_305 : memref<1x96x384xf32, #tpu.memory_space<vmem>> -> memref<96x384xf32, #tpu.memory_space<vmem>>
          %get3A_307 = arith.index_cast %scan3A_300 : i32 to index
          %get3A_308 = arith.constant 0 : index
          %get3A_309 = tpu.vector_load %get3A_306[%get3A_307, %get3A_308] {strides = array<i32>} : memref<96x384xf32, #tpu.memory_space<vmem>>, vector<16xf32>,
          %bitcast3A = vector.bitcast %get3A_309 : vector<16xf32> to vector<16xi32>
          %shift_right_arithmetic3A = arith.constant 31 : i32
          %shift_right_arithmetic3A_310 = vector.broadcast %shift_right_arithmetic3A : i32 to vector<16xi32>
          %shift_right_arithmetic3A_311 = arith.shrsi %bitcast3A, %shift_right_arithmetic3A_310 : vector<16xi32>
          %or3A = arith.constant -2147483648 : i32
          %or3A_312 = vector.broadcast %or3A : i32 to vector<16xi32>
          %or3A_313 = arith.ori %shift_right_arithmetic3A_311, %or3A_312 : vector<16xi32>
          %xor3A = arith.xori %bitcast3A, %or3A_313 : vector<16xi32>
          %shift_right_logical3A = arith.constant 19 : i32
          %shift_right_logical3A_314 = vector.broadcast %shift_right_logical3A : i32 to vector<16xi32>
          %shift_right_logical3A_315 = arith.shrui %xor3A, %shift_right_logical3A_314 : vector<16xi32>
          tpu.vector_store_idx %arg5[%shift_right_logical3A_315], %broadcast_in_dim3A_1 {add = true} : memref<8192xi32, #tpu.memory_space<vmem>>[vector<16xi32>], vector<16xi32>,
          tpu.vector_store_idx %arg6[%shift_right_logical3A_315], %get3A_309 {add = true} : memref<8192xf32, #tpu.memory_space<vmem>>[vector<16xi32>], vector<16xf32>,
          %max3A = arith.maximumf %scan3A_301, %get3A_309 : vector<16xf32>
          %max3A_316 = arith.maxsi %scan3A_302, %shift_right_logical3A_315 : vector<16xi32>
          %get3A_317 = arith.constant 0 : i32
          %get3A_318 = arith.constant 0 : i32
          %get3A_319 = tpu.memref_slice %arg4[%scan3A_262, %get3A_317, %get3A_318] : memref<2x96x384xf32, #tpu.memory_space<vmem>> -> memref<1x96x384xf32, #tpu.memory_space<vmem>>
          %get3A_320 = tpu.memref_squeeze %get3A_319 : memref<1x96x384xf32, #tpu.memory_space<vmem>> -> memref<96x384xf32, #tpu.memory_space<vmem>>
          %get3A_321 = arith.index_cast %scan3A_300 : i32 to index
          %get3A_322 = arith.constant 16 : index
          %get3A_323 = tpu.vector_load %get3A_320[%get3A_321, %get3A_322] {strides = array<i32>} : memref<96x384xf32, #tpu.memory_space<vmem>>, vector<16xf32>,
          %bitcast3A_324 = vector.bitcast %get3A_323 : vector<16xf32> to vector<16xi32>
          %shift_right_arithmetic3A_325 = arith.constant 31 : i32
          %shift_right_arithmetic3A_326 = vector.broadcast %shift_right_arithmetic3A_325 : i32 to vector<16xi32>
          %shift_right_arithmetic3A_327 = arith.shrsi %bitcast3A_324, %shift_right_arithmetic3A_326 : vector<16xi32>
          %or3A_328 = arith.constant -2147483648 : i32
          %or3A_329 = vector.broadcast %or3A_328 : i32 to vector<16xi32>
          %or3A_330 = arith.ori %shift_right_arithmetic3A_327, %or3A_329 : vector<16xi32>
          %xor3A_331 = arith.xori %bitcast3A_324, %or3A_330 : vector<16xi32>
          %shift_right_logical3A_332 = arith.constant 19 : i32
          %shift_right_logical3A_333 = vector.broadcast %shift_right_logical3A_332 : i32 to vector<16xi32>
          %shift_right_logical3A_334 = arith.shrui %xor3A_331, %shift_right_logical3A_333 : vector<16xi32>
          tpu.vector_store_idx %arg5[%shift_right_logical3A_334], %broadcast_in_dim3A_1 {add = true} : memref<8192xi32, #tpu.memory_space<vmem>>[vector<16xi32>], vector<16xi32>,
          tpu.vector_store_idx %arg6[%shift_right_logical3A_334], %get3A_323 {add = true} : memref<8192xf32, #tpu.memory_space<vmem>>[vector<16xi32>], vector<16xf32>,
          %max3A_335 = arith.maximumf %max3A, %get3A_323 : vector<16xf32>
          %max3A_336 = arith.maxsi %max3A_316, %shift_right_logical3A_334 : vector<16xi32>
          %get3A_337 = arith.constant 0 : i32
          %get3A_338 = arith.constant 0 : i32
          %get3A_339 = tpu.memref_slice %arg4[%scan3A_262, %get3A_337, %get3A_338] : memref<2x96x384xf32, #tpu.memory_space<vmem>> -> memref<1x96x384xf32, #tpu.memory_space<vmem>>
          %get3A_340 = tpu.memref_squeeze %get3A_339 : memref<1x96x384xf32, #tpu.memory_space<vmem>> -> memref<96x384xf32, #tpu.memory_space<vmem>>
          %get3A_341 = arith.index_cast %scan3A_300 : i32 to index
          %get3A_342 = arith.constant 32 : index
          %get3A_343 = tpu.vector_load %get3A_340[%get3A_341, %get3A_342] {strides = array<i32>} : memref<96x384xf32, #tpu.memory_space<vmem>>, vector<16xf32>,
          %bitcast3A_344 = vector.bitcast %get3A_343 : vector<16xf32> to vector<16xi32>
          %shift_right_arithmetic3A_345 = arith.constant 31 : i32
          %shift_right_arithmetic3A_346 = vector.broadcast %shift_right_arithmetic3A_345 : i32 to vector<16xi32>
          %shift_right_arithmetic3A_347 = arith.shrsi %bitcast3A_344, %shift_right_arithmetic3A_346 : vector<16xi32>
          %or3A_348 = arith.constant -2147483648 : i32
          %or3A_349 = vector.broadcast %or3A_348 : i32 to vector<16xi32>
          %or3A_350 = arith.ori %shift_right_arithmetic3A_347, %or3A_349 : vector<16xi32>
          %xor3A_351 = arith.xori %bitcast3A_344, %or3A_350 : vector<16xi32>
          %shift_right_logical3A_352 = arith.constant 19 : i32
          %shift_right_logical3A_353 = vector.broadcast %shift_right_logical3A_352 : i32 to vector<16xi32>
          %shift_right_logical3A_354 = arith.shrui %xor3A_351, %shift_right_logical3A_353 : vector<16xi32>
          tpu.vector_store_idx %arg5[%shift_right_logical3A_354], %broadcast_in_dim3A_1 {add = true} : memref<8192xi32, #tpu.memory_space<vmem>>[vector<16xi32>], vector<16xi32>,
          tpu.vector_store_idx %arg6[%shift_right_logical3A_354], %get3A_343 {add = true} : memref<8192xf32, #tpu.memory_space<vmem>>[vector<16xi32>], vector<16xf32>,
          %max3A_355 = arith.maximumf %max3A_335, %get3A_343 : vector<16xf32>
          %max3A_356 = arith.maxsi %max3A_336, %shift_right_logical3A_354 : vector<16xi32>
          %get3A_357 = arith.constant 0 : i32
          %get3A_358 = arith.constant 0 : i32
          %get3A_359 = tpu.memref_slice %arg4[%scan3A_262, %get3A_357, %get3A_358] : memref<2x96x384xf32, #tpu.memory_space<vmem>> -> memref<1x96x384xf32, #tpu.memory_space<vmem>>
          %get3A_360 = tpu.memref_squeeze %get3A_359 : memref<1x96x384xf32, #tpu.memory_space<vmem>> -> memref<96x384xf32, #tpu.memory_space<vmem>>
          %get3A_361 = arith.index_cast %scan3A_300 : i32 to index
          %get3A_362 = arith.constant 48 : index
          %get3A_363 = tpu.vector_load %get3A_360[%get3A_361, %get3A_362] {strides = array<i32>} : memref<96x384xf32, #tpu.memory_space<vmem>>, vector<16xf32>,
          %bitcast3A_364 = vector.bitcast %get3A_363 : vector<16xf32> to vector<16xi32>
          %shift_right_arithmetic3A_365 = arith.constant 31 : i32
          %shift_right_arithmetic3A_366 = vector.broadcast %shift_right_arithmetic3A_365 : i32 to vector<16xi32>
          %shift_right_arithmetic3A_367 = arith.shrsi %bitcast3A_364, %shift_right_arithmetic3A_366 : vector<16xi32>
          %or3A_368 = arith.constant -2147483648 : i32
          %or3A_369 = vector.broadcast %or3A_368 : i32 to vector<16xi32>
          %or3A_370 = arith.ori %shift_right_arithmetic3A_367, %or3A_369 : vector<16xi32>
          %xor3A_371 = arith.xori %bitcast3A_364, %or3A_370 : vector<16xi32>
          %shift_right_logical3A_372 = arith.constant 19 : i32
          %shift_right_logical3A_373 = vector.broadcast %shift_right_logical3A_372 : i32 to vector<16xi32>
          %shift_right_logical3A_374 = arith.shrui %xor3A_371, %shift_right_logical3A_373 : vector<16xi32>
          tpu.vector_store_idx %arg5[%shift_right_logical3A_374], %broadcast_in_dim3A_1 {add = true} : memref<8192xi32, #tpu.memory_space<vmem>>[vector<16xi32>], vector<16xi32>,
          tpu.vector_store_idx %arg6[%shift_right_logical3A_374], %get3A_363 {add = true} : memref<8192xf32, #tpu.memory_space<vmem>>[vector<16xi32>], vector<16xf32>,
          %max3A_375 = arith.maximumf %max3A_355, %get3A_363 : vector<16xf32>
          %max3A_376 = arith.maxsi %max3A_356, %shift_right_logical3A_374 : vector<16xi32>
          %get3A_377 = arith.constant 0 : i32
          %get3A_378 = arith.constant 0 : i32
          %get3A_379 = tpu.memref_slice %arg4[%scan3A_262, %get3A_377, %get3A_378] : memref<2x96x384xf32, #tpu.memory_space<vmem>> -> memref<1x96x384xf32, #tpu.memory_space<vmem>>
          %get3A_380 = tpu.memref_squeeze %get3A_379 : memref<1x96x384xf32, #tpu.memory_space<vmem>> -> memref<96x384xf32, #tpu.memory_space<vmem>>
          %get3A_381 = arith.index_cast %scan3A_300 : i32 to index
          %get3A_382 = arith.constant 64 : index
          %get3A_383 = tpu.vector_load %get3A_380[%get3A_381, %get3A_382] {strides = array<i32>} : memref<96x384xf32, #tpu.memory_space<vmem>>, vector<16xf32>,
          %bitcast3A_384 = vector.bitcast %get3A_383 : vector<16xf32> to vector<16xi32>
          %shift_right_arithmetic3A_385 = arith.constant 31 : i32
          %shift_right_arithmetic3A_386 = vector.broadcast %shift_right_arithmetic3A_385 : i32 to vector<16xi32>
          %shift_right_arithmetic3A_387 = arith.shrsi %bitcast3A_384, %shift_right_arithmetic3A_386 : vector<16xi32>
          %or3A_388 = arith.constant -2147483648 : i32
          %or3A_389 = vector.broadcast %or3A_388 : i32 to vector<16xi32>
          %or3A_390 = arith.ori %shift_right_arithmetic3A_387, %or3A_389 : vector<16xi32>
          %xor3A_391 = arith.xori %bitcast3A_384, %or3A_390 : vector<16xi32>
          %shift_right_logical3A_392 = arith.constant 19 : i32
          %shift_right_logical3A_393 = vector.broadcast %shift_right_logical3A_392 : i32 to vector<16xi32>
          %shift_right_logical3A_394 = arith.shrui %xor3A_391, %shift_right_logical3A_393 : vector<16xi32>
          tpu.vector_store_idx %arg5[%shift_right_logical3A_394], %broadcast_in_dim3A_1 {add = true} : memref<8192xi32, #tpu.memory_space<vmem>>[vector<16xi32>], vector<16xi32>,
          tpu.vector_store_idx %arg6[%shift_right_logical3A_394], %get3A_383 {add = true} : memref<8192xf32, #tpu.memory_space<vmem>>[vector<16xi32>], vector<16xf32>,
          %max3A_395 = arith.maximumf %max3A_375, %get3A_383 : vector<16xf32>
          %max3A_396 = arith.maxsi %max3A_376, %shift_right_logical3A_394 : vector<16xi32>
          %get3A_397 = arith.constant 0 : i32
          %get3A_398 = arith.constant 0 : i32
          %get3A_399 = tpu.memref_slice %arg4[%scan3A_262, %get3A_397, %get3A_398] : memref<2x96x384xf32, #tpu.memory_space<vmem>> -> memref<1x96x384xf32, #tpu.memory_space<vmem>>
          %get3A_400 = tpu.memref_squeeze %get3A_399 : memref<1x96x384xf32, #tpu.memory_space<vmem>> -> memref<96x384xf32, #tpu.memory_space<vmem>>
          %get3A_401 = arith.index_cast %scan3A_300 : i32 to index
          %get3A_402 = arith.constant 80 : index
          %get3A_403 = tpu.vector_load %get3A_400[%get3A_401, %get3A_402] {strides = array<i32>} : memref<96x384xf32, #tpu.memory_space<vmem>>, vector<16xf32>,
          %bitcast3A_404 = vector.bitcast %get3A_403 : vector<16xf32> to vector<16xi32>
          %shift_right_arithmetic3A_405 = arith.constant 31 : i32
          %shift_right_arithmetic3A_406 = vector.broadcast %shift_right_arithmetic3A_405 : i32 to vector<16xi32>
          %shift_right_arithmetic3A_407 = arith.shrsi %bitcast3A_404, %shift_right_arithmetic3A_406 : vector<16xi32>
          %or3A_408 = arith.constant -2147483648 : i32
          %or3A_409 = vector.broadcast %or3A_408 : i32 to vector<16xi32>
          %or3A_410 = arith.ori %shift_right_arithmetic3A_407, %or3A_409 : vector<16xi32>
          %xor3A_411 = arith.xori %bitcast3A_404, %or3A_410 : vector<16xi32>
          %shift_right_logical3A_412 = arith.constant 19 : i32
          %shift_right_logical3A_413 = vector.broadcast %shift_right_logical3A_412 : i32 to vector<16xi32>
          %shift_right_logical3A_414 = arith.shrui %xor3A_411, %shift_right_logical3A_413 : vector<16xi32>
          tpu.vector_store_idx %arg5[%shift_right_logical3A_414], %broadcast_in_dim3A_1 {add = true} : memref<8192xi32, #tpu.memory_space<vmem>>[vector<16xi32>], vector<16xi32>,
          tpu.vector_store_idx %arg6[%shift_right_logical3A_414], %get3A_403 {add = true} : memref<8192xf32, #tpu.memory_space<vmem>>[vector<16xi32>], vector<16xf32>,
          %max3A_415 = arith.maximumf %max3A_395, %get3A_403 : vector<16xf32>
          %max3A_416 = arith.maxsi %max3A_396, %shift_right_logical3A_414 : vector<16xi32>
          %get3A_417 = arith.constant 0 : i32
          %get3A_418 = arith.constant 0 : i32
          %get3A_419 = tpu.memref_slice %arg4[%scan3A_262, %get3A_417, %get3A_418] : memref<2x96x384xf32, #tpu.memory_space<vmem>> -> memref<1x96x384xf32, #tpu.memory_space<vmem>>
          %get3A_420 = tpu.memref_squeeze %get3A_419 : memref<1x96x384xf32, #tpu.memory_space<vmem>> -> memref<96x384xf32, #tpu.memory_space<vmem>>
          %get3A_421 = arith.index_cast %scan3A_300 : i32 to index
          %get3A_422 = arith.constant 96 : index
          %get3A_423 = tpu.vector_load %get3A_420[%get3A_421, %get3A_422] {strides = array<i32>} : memref<96x384xf32, #tpu.memory_space<vmem>>, vector<16xf32>,
          %bitcast3A_424 = vector.bitcast %get3A_423 : vector<16xf32> to vector<16xi32>
          %shift_right_arithmetic3A_425 = arith.constant 31 : i32
          %shift_right_arithmetic3A_426 = vector.broadcast %shift_right_arithmetic3A_425 : i32 to vector<16xi32>
          %shift_right_arithmetic3A_427 = arith.shrsi %bitcast3A_424, %shift_right_arithmetic3A_426 : vector<16xi32>
          %or3A_428 = arith.constant -2147483648 : i32
          %or3A_429 = vector.broadcast %or3A_428 : i32 to vector<16xi32>
          %or3A_430 = arith.ori %shift_right_arithmetic3A_427, %or3A_429 : vector<16xi32>
          %xor3A_431 = arith.xori %bitcast3A_424, %or3A_430 : vector<16xi32>
          %shift_right_logical3A_432 = arith.constant 19 : i32
          %shift_right_logical3A_433 = vector.broadcast %shift_right_logical3A_432 : i32 to vector<16xi32>
          %shift_right_logical3A_434 = arith.shrui %xor3A_431, %shift_right_logical3A_433 : vector<16xi32>
          tpu.vector_store_idx %arg5[%shift_right_logical3A_434], %broadcast_in_dim3A_1 {add = true} : memref<8192xi32, #tpu.memory_space<vmem>>[vector<16xi32>], vector<16xi32>,
          tpu.vector_store_idx %arg6[%shift_right_logical3A_434], %get3A_423 {add = true} : memref<8192xf32, #tpu.memory_space<vmem>>[vector<16xi32>], vector<16xf32>,
          %max3A_435 = arith.maximumf %max3A_415, %get3A_423 : vector<16xf32>
          %max3A_436 = arith.maxsi %max3A_416, %shift_right_logical3A_434 : vector<16xi32>
          %get3A_437 = arith.constant 0 : i32
          %get3A_438 = arith.constant 0 : i32
          %get3A_439 = tpu.memref_slice %arg4[%scan3A_262, %get3A_437, %get3A_438] : memref<2x96x384xf32, #tpu.memory_space<vmem>> -> memref<1x96x384xf32, #tpu.memory_space<vmem>>
          %get3A_440 = tpu.memref_squeeze %get3A_439 : memref<1x96x384xf32, #tpu.memory_space<vmem>> -> memref<96x384xf32, #tpu.memory_space<vmem>>
          %get3A_441 = arith.index_cast %scan3A_300 : i32 to index
          %get3A_442 = arith.constant 112 : index
          %get3A_443 = tpu.vector_load %get3A_440[%get3A_441, %get3A_442] {strides = array<i32>} : memref<96x384xf32, #tpu.memory_space<vmem>>, vector<16xf32>,
          %bitcast3A_444 = vector.bitcast %get3A_443 : vector<16xf32> to vector<16xi32>
          %shift_right_arithmetic3A_445 = arith.constant 31 : i32
          %shift_right_arithmetic3A_446 = vector.broadcast %shift_right_arithmetic3A_445 : i32 to vector<16xi32>
          %shift_right_arithmetic3A_447 = arith.shrsi %bitcast3A_444, %shift_right_arithmetic3A_446 : vector<16xi32>
          %or3A_448 = arith.constant -2147483648 : i32
          %or3A_449 = vector.broadcast %or3A_448 : i32 to vector<16xi32>
          %or3A_450 = arith.ori %shift_right_arithmetic3A_447, %or3A_449 : vector<16xi32>
          %xor3A_451 = arith.xori %bitcast3A_444, %or3A_450 : vector<16xi32>
          %shift_right_logical3A_452 = arith.constant 19 : i32
          %shift_right_logical3A_453 = vector.broadcast %shift_right_logical3A_452 : i32 to vector<16xi32>
          %shift_right_logical3A_454 = arith.shrui %xor3A_451, %shift_right_logical3A_453 : vector<16xi32>
          tpu.vector_store_idx %arg5[%shift_right_logical3A_454], %broadcast_in_dim3A_1 {add = true} : memref<8192xi32, #tpu.memory_space<vmem>>[vector<16xi32>], vector<16xi32>,
          tpu.vector_store_idx %arg6[%shift_right_logical3A_454], %get3A_443 {add = true} : memref<8192xf32, #tpu.memory_space<vmem>>[vector<16xi32>], vector<16xf32>,
          %max3A_455 = arith.maximumf %max3A_435, %get3A_443 : vector<16xf32>
          %max3A_456 = arith.maxsi %max3A_436, %shift_right_logical3A_454 : vector<16xi32>
          %get3A_457 = arith.constant 0 : i32
          %get3A_458 = arith.constant 0 : i32
          %get3A_459 = tpu.memref_slice %arg4[%scan3A_262, %get3A_457, %get3A_458] : memref<2x96x384xf32, #tpu.memory_space<vmem>> -> memref<1x96x384xf32, #tpu.memory_space<vmem>>
          %get3A_460 = tpu.memref_squeeze %get3A_459 : memref<1x96x384xf32, #tpu.memory_space<vmem>> -> memref<96x384xf32, #tpu.memory_space<vmem>>
          %get3A_461 = arith.index_cast %scan3A_300 : i32 to index
          %get3A_462 = arith.constant 128 : index
          %get3A_463 = tpu.vector_load %get3A_460[%get3A_461, %get3A_462] {strides = array<i32>} : memref<96x384xf32, #tpu.memory_space<vmem>>, vector<16xf32>,
          %bitcast3A_464 = vector.bitcast %get3A_463 : vector<16xf32> to vector<16xi32>
          %shift_right_arithmetic3A_465 = arith.constant 31 : i32
          %shift_right_arithmetic3A_466 = vector.broadcast %shift_right_arithmetic3A_465 : i32 to vector<16xi32>
          %shift_right_arithmetic3A_467 = arith.shrsi %bitcast3A_464, %shift_right_arithmetic3A_466 : vector<16xi32>
          %or3A_468 = arith.constant -2147483648 : i32
          %or3A_469 = vector.broadcast %or3A_468 : i32 to vector<16xi32>
          %or3A_470 = arith.ori %shift_right_arithmetic3A_467, %or3A_469 : vector<16xi32>
          %xor3A_471 = arith.xori %bitcast3A_464, %or3A_470 : vector<16xi32>
          %shift_right_logical3A_472 = arith.constant 19 : i32
          %shift_right_logical3A_473 = vector.broadcast %shift_right_logical3A_472 : i32 to vector<16xi32>
          %shift_right_logical3A_474 = arith.shrui %xor3A_471, %shift_right_logical3A_473 : vector<16xi32>
          tpu.vector_store_idx %arg5[%shift_right_logical3A_474], %broadcast_in_dim3A_1 {add = true} : memref<8192xi32, #tpu.memory_space<vmem>>[vector<16xi32>], vector<16xi32>,
          tpu.vector_store_idx %arg6[%shift_right_logical3A_474], %get3A_463 {add = true} : memref<8192xf32, #tpu.memory_space<vmem>>[vector<16xi32>], vector<16xf32>,
          %max3A_475 = arith.maximumf %max3A_455, %get3A_463 : vector<16xf32>
          %max3A_476 = arith.maxsi %max3A_456, %shift_right_logical3A_474 : vector<16xi32>
          %get3A_477 = arith.constant 0 : i32
          %get3A_478 = arith.constant 0 : i32
          %get3A_479 = tpu.memref_slice %arg4[%scan3A_262, %get3A_477, %get3A_478] : memref<2x96x384xf32, #tpu.memory_space<vmem>> -> memref<1x96x384xf32, #tpu.memory_space<vmem>>
          %get3A_480 = tpu.memref_squeeze %get3A_479 : memref<1x96x384xf32, #tpu.memory_space<vmem>> -> memref<96x384xf32, #tpu.memory_space<vmem>>
          %get3A_481 = arith.index_cast %scan3A_300 : i32 to index
          %get3A_482 = arith.constant 144 : index
          %get3A_483 = tpu.vector_load %get3A_480[%get3A_481, %get3A_482] {strides = array<i32>} : memref<96x384xf32, #tpu.memory_space<vmem>>, vector<16xf32>,
          %bitcast3A_484 = vector.bitcast %get3A_483 : vector<16xf32> to vector<16xi32>
          %shift_right_arithmetic3A_485 = arith.constant 31 : i32
          %shift_right_arithmetic3A_486 = vector.broadcast %shift_right_arithmetic3A_485 : i32 to vector<16xi32>
          %shift_right_arithmetic3A_487 = arith.shrsi %bitcast3A_484, %shift_right_arithmetic3A_486 : vector<16xi32>
          %or3A_488 = arith.constant -2147483648 : i32
          %or3A_489 = vector.broadcast %or3A_488 : i32 to vector<16xi32>
          %or3A_490 = arith.ori %shift_right_arithmetic3A_487, %or3A_489 : vector<16xi32>
          %xor3A_491 = arith.xori %bitcast3A_484, %or3A_490 : vector<16xi32>
          %shift_right_logical3A_492 = arith.constant 19 : i32
          %shift_right_logical3A_493 = vector.broadcast %shift_right_logical3A_492 : i32 to vector<16xi32>
          %shift_right_logical3A_494 = arith.shrui %xor3A_491, %shift_right_logical3A_493 : vector<16xi32>
          tpu.vector_store_idx %arg5[%shift_right_logical3A_494], %broadcast_in_dim3A_1 {add = true} : memref<8192xi32, #tpu.memory_space<vmem>>[vector<16xi32>], vector<16xi32>,
          tpu.vector_store_idx %arg6[%shift_right_logical3A_494], %get3A_483 {add = true} : memref<8192xf32, #tpu.memory_space<vmem>>[vector<16xi32>], vector<16xf32>,
          %max3A_495 = arith.maximumf %max3A_475, %get3A_483 : vector<16xf32>
          %max3A_496 = arith.maxsi %max3A_476, %shift_right_logical3A_494 : vector<16xi32>
          %get3A_497 = arith.constant 0 : i32
          %get3A_498 = arith.constant 0 : i32
          %get3A_499 = tpu.memref_slice %arg4[%scan3A_262, %get3A_497, %get3A_498] : memref<2x96x384xf32, #tpu.memory_space<vmem>> -> memref<1x96x384xf32, #tpu.memory_space<vmem>>
          %get3A_500 = tpu.memref_squeeze %get3A_499 : memref<1x96x384xf32, #tpu.memory_space<vmem>> -> memref<96x384xf32, #tpu.memory_space<vmem>>
          %get3A_501 = arith.index_cast %scan3A_300 : i32 to index
          %get3A_502 = arith.constant 160 : index
          %get3A_503 = tpu.vector_load %get3A_500[%get3A_501, %get3A_502] {strides = array<i32>} : memref<96x384xf32, #tpu.memory_space<vmem>>, vector<16xf32>,
          %bitcast3A_504 = vector.bitcast %get3A_503 : vector<16xf32> to vector<16xi32>
          %shift_right_arithmetic3A_505 = arith.constant 31 : i32
          %shift_right_arithmetic3A_506 = vector.broadcast %shift_right_arithmetic3A_505 : i32 to vector<16xi32>
          %shift_right_arithmetic3A_507 = arith.shrsi %bitcast3A_504, %shift_right_arithmetic3A_506 : vector<16xi32>
          %or3A_508 = arith.constant -2147483648 : i32
          %or3A_509 = vector.broadcast %or3A_508 : i32 to vector<16xi32>
          %or3A_510 = arith.ori %shift_right_arithmetic3A_507, %or3A_509 : vector<16xi32>
          %xor3A_511 = arith.xori %bitcast3A_504, %or3A_510 : vector<16xi32>
          %shift_right_logical3A_512 = arith.constant 19 : i32
          %shift_right_logical3A_513 = vector.broadcast %shift_right_logical3A_512 : i32 to vector<16xi32>
          %shift_right_logical3A_514 = arith.shrui %xor3A_511, %shift_right_logical3A_513 : vector<16xi32>
          tpu.vector_store_idx %arg5[%shift_right_logical3A_514], %broadcast_in_dim3A_1 {add = true} : memref<8192xi32, #tpu.memory_space<vmem>>[vector<16xi32>], vector<16xi32>,
          tpu.vector_store_idx %arg6[%shift_right_logical3A_514], %get3A_503 {add = true} : memref<8192xf32, #tpu.memory_space<vmem>>[vector<16xi32>], vector<16xf32>,
          %max3A_515 = arith.maximumf %max3A_495, %get3A_503 : vector<16xf32>
          %max3A_516 = arith.maxsi %max3A_496, %shift_right_logical3A_514 : vector<16xi32>
          %get3A_517 = arith.constant 0 : i32
          %get3A_518 = arith.constant 0 : i32
          %get3A_519 = tpu.memref_slice %arg4[%scan3A_262, %get3A_517, %get3A_518] : memref<2x96x384xf32, #tpu.memory_space<vmem>> -> memref<1x96x384xf32, #tpu.memory_space<vmem>>
          %get3A_520 = tpu.memref_squeeze %get3A_519 : memref<1x96x384xf32, #tpu.memory_space<vmem>> -> memref<96x384xf32, #tpu.memory_space<vmem>>
          %get3A_521 = arith.index_cast %scan3A_300 : i32 to index
          %get3A_522 = arith.constant 176 : index
          %get3A_523 = tpu.vector_load %get3A_520[%get3A_521, %get3A_522] {strides = array<i32>} : memref<96x384xf32, #tpu.memory_space<vmem>>, vector<16xf32>,
          %bitcast3A_524 = vector.bitcast %get3A_523 : vector<16xf32> to vector<16xi32>
          %shift_right_arithmetic3A_525 = arith.constant 31 : i32
          %shift_right_arithmetic3A_526 = vector.broadcast %shift_right_arithmetic3A_525 : i32 to vector<16xi32>
          %shift_right_arithmetic3A_527 = arith.shrsi %bitcast3A_524, %shift_right_arithmetic3A_526 : vector<16xi32>
          %or3A_528 = arith.constant -2147483648 : i32
          %or3A_529 = vector.broadcast %or3A_528 : i32 to vector<16xi32>
          %or3A_530 = arith.ori %shift_right_arithmetic3A_527, %or3A_529 : vector<16xi32>
          %xor3A_531 = arith.xori %bitcast3A_524, %or3A_530 : vector<16xi32>
          %shift_right_logical3A_532 = arith.constant 19 : i32
          %shift_right_logical3A_533 = vector.broadcast %shift_right_logical3A_532 : i32 to vector<16xi32>
          %shift_right_logical3A_534 = arith.shrui %xor3A_531, %shift_right_logical3A_533 : vector<16xi32>
          tpu.vector_store_idx %arg5[%shift_right_logical3A_534], %broadcast_in_dim3A_1 {add = true} : memref<8192xi32, #tpu.memory_space<vmem>>[vector<16xi32>], vector<16xi32>,
          tpu.vector_store_idx %arg6[%shift_right_logical3A_534], %get3A_523 {add = true} : memref<8192xf32, #tpu.memory_space<vmem>>[vector<16xi32>], vector<16xf32>,
          %max3A_535 = arith.maximumf %max3A_515, %get3A_523 : vector<16xf32>
          %max3A_536 = arith.maxsi %max3A_516, %shift_right_logical3A_534 : vector<16xi32>
          %get3A_537 = arith.constant 0 : i32
          %get3A_538 = arith.constant 0 : i32
          %get3A_539 = tpu.memref_slice %arg4[%scan3A_262, %get3A_537, %get3A_538] : memref<2x96x384xf32, #tpu.memory_space<vmem>> -> memref<1x96x384xf32, #tpu.memory_space<vmem>>
          %get3A_540 = tpu.memref_squeeze %get3A_539 : memref<1x96x384xf32, #tpu.memory_space<vmem>> -> memref<96x384xf32, #tpu.memory_space<vmem>>
          %get3A_541 = arith.index_cast %scan3A_300 : i32 to index
          %get3A_542 = arith.constant 192 : index
          %get3A_543 = tpu.vector_load %get3A_540[%get3A_541, %get3A_542] {strides = array<i32>} : memref<96x384xf32, #tpu.memory_space<vmem>>, vector<16xf32>,
          %bitcast3A_544 = vector.bitcast %get3A_543 : vector<16xf32> to vector<16xi32>
          %shift_right_arithmetic3A_545 = arith.constant 31 : i32
          %shift_right_arithmetic3A_546 = vector.broadcast %shift_right_arithmetic3A_545 : i32 to vector<16xi32>
          %shift_right_arithmetic3A_547 = arith.shrsi %bitcast3A_544, %shift_right_arithmetic3A_546 : vector<16xi32>
          %or3A_548 = arith.constant -2147483648 : i32
          %or3A_549 = vector.broadcast %or3A_548 : i32 to vector<16xi32>
          %or3A_550 = arith.ori %shift_right_arithmetic3A_547, %or3A_549 : vector<16xi32>
          %xor3A_551 = arith.xori %bitcast3A_544, %or3A_550 : vector<16xi32>
          %shift_right_logical3A_552 = arith.constant 19 : i32
          %shift_right_logical3A_553 = vector.broadcast %shift_right_logical3A_552 : i32 to vector<16xi32>
          %shift_right_logical3A_554 = arith.shrui %xor3A_551, %shift_right_logical3A_553 : vector<16xi32>
          tpu.vector_store_idx %arg5[%shift_right_logical3A_554], %broadcast_in_dim3A_1 {add = true} : memref<8192xi32, #tpu.memory_space<vmem>>[vector<16xi32>], vector<16xi32>,
          tpu.vector_store_idx %arg6[%shift_right_logical3A_554], %get3A_543 {add = true} : memref<8192xf32, #tpu.memory_space<vmem>>[vector<16xi32>], vector<16xf32>,
          %max3A_555 = arith.maximumf %max3A_535, %get3A_543 : vector<16xf32>
          %max3A_556 = arith.maxsi %max3A_536, %shift_right_logical3A_554 : vector<16xi32>
          %get3A_557 = arith.constant 0 : i32
          %get3A_558 = arith.constant 0 : i32
          %get3A_559 = tpu.memref_slice %arg4[%scan3A_262, %get3A_557, %get3A_558] : memref<2x96x384xf32, #tpu.memory_space<vmem>> -> memref<1x96x384xf32, #tpu.memory_space<vmem>>
          %get3A_560 = tpu.memref_squeeze %get3A_559 : memref<1x96x384xf32, #tpu.memory_space<vmem>> -> memref<96x384xf32, #tpu.memory_space<vmem>>
          %get3A_561 = arith.index_cast %scan3A_300 : i32 to index
          %get3A_562 = arith.constant 208 : index
          %get3A_563 = tpu.vector_load %get3A_560[%get3A_561, %get3A_562] {strides = array<i32>} : memref<96x384xf32, #tpu.memory_space<vmem>>, vector<16xf32>,
          %bitcast3A_564 = vector.bitcast %get3A_563 : vector<16xf32> to vector<16xi32>
          %shift_right_arithmetic3A_565 = arith.constant 31 : i32
          %shift_right_arithmetic3A_566 = vector.broadcast %shift_right_arithmetic3A_565 : i32 to vector<16xi32>
          %shift_right_arithmetic3A_567 = arith.shrsi %bitcast3A_564, %shift_right_arithmetic3A_566 : vector<16xi32>
          %or3A_568 = arith.constant -2147483648 : i32
          %or3A_569 = vector.broadcast %or3A_568 : i32 to vector<16xi32>
          %or3A_570 = arith.ori %shift_right_arithmetic3A_567, %or3A_569 : vector<16xi32>
          %xor3A_571 = arith.xori %bitcast3A_564, %or3A_570 : vector<16xi32>
          %shift_right_logical3A_572 = arith.constant 19 : i32
          %shift_right_logical3A_573 = vector.broadcast %shift_right_logical3A_572 : i32 to vector<16xi32>
          %shift_right_logical3A_574 = arith.shrui %xor3A_571, %shift_right_logical3A_573 : vector<16xi32>
          tpu.vector_store_idx %arg5[%shift_right_logical3A_574], %broadcast_in_dim3A_1 {add = true} : memref<8192xi32, #tpu.memory_space<vmem>>[vector<16xi32>], vector<16xi32>,
          tpu.vector_store_idx %arg6[%shift_right_logical3A_574], %get3A_563 {add = true} : memref<8192xf32, #tpu.memory_space<vmem>>[vector<16xi32>], vector<16xf32>,
          %max3A_575 = arith.maximumf %max3A_555, %get3A_563 : vector<16xf32>
          %max3A_576 = arith.maxsi %max3A_556, %shift_right_logical3A_574 : vector<16xi32>
          %get3A_577 = arith.constant 0 : i32
          %get3A_578 = arith.constant 0 : i32
          %get3A_579 = tpu.memref_slice %arg4[%scan3A_262, %get3A_577, %get3A_578] : memref<2x96x384xf32, #tpu.memory_space<vmem>> -> memref<1x96x384xf32, #tpu.memory_space<vmem>>
          %get3A_580 = tpu.memref_squeeze %get3A_579 : memref<1x96x384xf32, #tpu.memory_space<vmem>> -> memref<96x384xf32, #tpu.memory_space<vmem>>
          %get3A_581 = arith.index_cast %scan3A_300 : i32 to index
          %get3A_582 = arith.constant 224 : index
          %get3A_583 = tpu.vector_load %get3A_580[%get3A_581, %get3A_582] {strides = array<i32>} : memref<96x384xf32, #tpu.memory_space<vmem>>, vector<16xf32>,
          %bitcast3A_584 = vector.bitcast %get3A_583 : vector<16xf32> to vector<16xi32>
          %shift_right_arithmetic3A_585 = arith.constant 31 : i32
          %shift_right_arithmetic3A_586 = vector.broadcast %shift_right_arithmetic3A_585 : i32 to vector<16xi32>
          %shift_right_arithmetic3A_587 = arith.shrsi %bitcast3A_584, %shift_right_arithmetic3A_586 : vector<16xi32>
          %or3A_588 = arith.constant -2147483648 : i32
          %or3A_589 = vector.broadcast %or3A_588 : i32 to vector<16xi32>
          %or3A_590 = arith.ori %shift_right_arithmetic3A_587, %or3A_589 : vector<16xi32>
          %xor3A_591 = arith.xori %bitcast3A_584, %or3A_590 : vector<16xi32>
          %shift_right_logical3A_592 = arith.constant 19 : i32
          %shift_right_logical3A_593 = vector.broadcast %shift_right_logical3A_592 : i32 to vector<16xi32>
          %shift_right_logical3A_594 = arith.shrui %xor3A_591, %shift_right_logical3A_593 : vector<16xi32>
          tpu.vector_store_idx %arg5[%shift_right_logical3A_594], %broadcast_in_dim3A_1 {add = true} : memref<8192xi32, #tpu.memory_space<vmem>>[vector<16xi32>], vector<16xi32>,
          tpu.vector_store_idx %arg6[%shift_right_logical3A_594], %get3A_583 {add = true} : memref<8192xf32, #tpu.memory_space<vmem>>[vector<16xi32>], vector<16xf32>,
          %max3A_595 = arith.maximumf %max3A_575, %get3A_583 : vector<16xf32>
          %max3A_596 = arith.maxsi %max3A_576, %shift_right_logical3A_594 : vector<16xi32>
          %get3A_597 = arith.constant 0 : i32
          %get3A_598 = arith.constant 0 : i32
          %get3A_599 = tpu.memref_slice %arg4[%scan3A_262, %get3A_597, %get3A_598] : memref<2x96x384xf32, #tpu.memory_space<vmem>> -> memref<1x96x384xf32, #tpu.memory_space<vmem>>
          %get3A_600 = tpu.memref_squeeze %get3A_599 : memref<1x96x384xf32, #tpu.memory_space<vmem>> -> memref<96x384xf32, #tpu.memory_space<vmem>>
          %get3A_601 = arith.index_cast %scan3A_300 : i32 to index
          %get3A_602 = arith.constant 240 : index
          %get3A_603 = tpu.vector_load %get3A_600[%get3A_601, %get3A_602] {strides = array<i32>} : memref<96x384xf32, #tpu.memory_space<vmem>>, vector<16xf32>,
          %bitcast3A_604 = vector.bitcast %get3A_603 : vector<16xf32> to vector<16xi32>
          %shift_right_arithmetic3A_605 = arith.constant 31 : i32
          %shift_right_arithmetic3A_606 = vector.broadcast %shift_right_arithmetic3A_605 : i32 to vector<16xi32>
          %shift_right_arithmetic3A_607 = arith.shrsi %bitcast3A_604, %shift_right_arithmetic3A_606 : vector<16xi32>
          %or3A_608 = arith.constant -2147483648 : i32
          %or3A_609 = vector.broadcast %or3A_608 : i32 to vector<16xi32>
          %or3A_610 = arith.ori %shift_right_arithmetic3A_607, %or3A_609 : vector<16xi32>
          %xor3A_611 = arith.xori %bitcast3A_604, %or3A_610 : vector<16xi32>
          %shift_right_logical3A_612 = arith.constant 19 : i32
          %shift_right_logical3A_613 = vector.broadcast %shift_right_logical3A_612 : i32 to vector<16xi32>
          %shift_right_logical3A_614 = arith.shrui %xor3A_611, %shift_right_logical3A_613 : vector<16xi32>
          tpu.vector_store_idx %arg5[%shift_right_logical3A_614], %broadcast_in_dim3A_1 {add = true} : memref<8192xi32, #tpu.memory_space<vmem>>[vector<16xi32>], vector<16xi32>,
          tpu.vector_store_idx %arg6[%shift_right_logical3A_614], %get3A_603 {add = true} : memref<8192xf32, #tpu.memory_space<vmem>>[vector<16xi32>], vector<16xf32>,
          %max3A_615 = arith.maximumf %max3A_595, %get3A_603 : vector<16xf32>
          %max3A_616 = arith.maxsi %max3A_596, %shift_right_logical3A_614 : vector<16xi32>
          %get3A_617 = arith.constant 0 : i32
          %get3A_618 = arith.constant 0 : i32
          %get3A_619 = tpu.memref_slice %arg4[%scan3A_262, %get3A_617, %get3A_618] : memref<2x96x384xf32, #tpu.memory_space<vmem>> -> memref<1x96x384xf32, #tpu.memory_space<vmem>>
          %get3A_620 = tpu.memref_squeeze %get3A_619 : memref<1x96x384xf32, #tpu.memory_space<vmem>> -> memref<96x384xf32, #tpu.memory_space<vmem>>
          %get3A_621 = arith.index_cast %scan3A_300 : i32 to index
          %get3A_622 = arith.constant 256 : index
          %get3A_623 = tpu.vector_load %get3A_620[%get3A_621, %get3A_622] {strides = array<i32>} : memref<96x384xf32, #tpu.memory_space<vmem>>, vector<16xf32>,
          %bitcast3A_624 = vector.bitcast %get3A_623 : vector<16xf32> to vector<16xi32>
          %shift_right_arithmetic3A_625 = arith.constant 31 : i32
          %shift_right_arithmetic3A_626 = vector.broadcast %shift_right_arithmetic3A_625 : i32 to vector<16xi32>
          %shift_right_arithmetic3A_627 = arith.shrsi %bitcast3A_624, %shift_right_arithmetic3A_626 : vector<16xi32>
          %or3A_628 = arith.constant -2147483648 : i32
          %or3A_629 = vector.broadcast %or3A_628 : i32 to vector<16xi32>
          %or3A_630 = arith.ori %shift_right_arithmetic3A_627, %or3A_629 : vector<16xi32>
          %xor3A_631 = arith.xori %bitcast3A_624, %or3A_630 : vector<16xi32>
          %shift_right_logical3A_632 = arith.constant 19 : i32
          %shift_right_logical3A_633 = vector.broadcast %shift_right_logical3A_632 : i32 to vector<16xi32>
          %shift_right_logical3A_634 = arith.shrui %xor3A_631, %shift_right_logical3A_633 : vector<16xi32>
          tpu.vector_store_idx %arg5[%shift_right_logical3A_634], %broadcast_in_dim3A_1 {add = true} : memref<8192xi32, #tpu.memory_space<vmem>>[vector<16xi32>], vector<16xi32>,
          tpu.vector_store_idx %arg6[%shift_right_logical3A_634], %get3A_623 {add = true} : memref<8192xf32, #tpu.memory_space<vmem>>[vector<16xi32>], vector<16xf32>,
          %max3A_635 = arith.maximumf %max3A_615, %get3A_623 : vector<16xf32>
          %max3A_636 = arith.maxsi %max3A_616, %shift_right_logical3A_634 : vector<16xi32>
          %get3A_637 = arith.constant 0 : i32
          %get3A_638 = arith.constant 0 : i32
          %get3A_639 = tpu.memref_slice %arg4[%scan3A_262, %get3A_637, %get3A_638] : memref<2x96x384xf32, #tpu.memory_space<vmem>> -> memref<1x96x384xf32, #tpu.memory_space<vmem>>
          %get3A_640 = tpu.memref_squeeze %get3A_639 : memref<1x96x384xf32, #tpu.memory_space<vmem>> -> memref<96x384xf32, #tpu.memory_space<vmem>>
          %get3A_641 = arith.index_cast %scan3A_300 : i32 to index
          %get3A_642 = arith.constant 272 : index
          %get3A_643 = tpu.vector_load %get3A_640[%get3A_641, %get3A_642] {strides = array<i32>} : memref<96x384xf32, #tpu.memory_space<vmem>>, vector<16xf32>,
          %bitcast3A_644 = vector.bitcast %get3A_643 : vector<16xf32> to vector<16xi32>
          %shift_right_arithmetic3A_645 = arith.constant 31 : i32
          %shift_right_arithmetic3A_646 = vector.broadcast %shift_right_arithmetic3A_645 : i32 to vector<16xi32>
          %shift_right_arithmetic3A_647 = arith.shrsi %bitcast3A_644, %shift_right_arithmetic3A_646 : vector<16xi32>
          %or3A_648 = arith.constant -2147483648 : i32
          %or3A_649 = vector.broadcast %or3A_648 : i32 to vector<16xi32>
          %or3A_650 = arith.ori %shift_right_arithmetic3A_647, %or3A_649 : vector<16xi32>
          %xor3A_651 = arith.xori %bitcast3A_644, %or3A_650 : vector<16xi32>
          %shift_right_logical3A_652 = arith.constant 19 : i32
          %shift_right_logical3A_653 = vector.broadcast %shift_right_logical3A_652 : i32 to vector<16xi32>
          %shift_right_logical3A_654 = arith.shrui %xor3A_651, %shift_right_logical3A_653 : vector<16xi32>
          tpu.vector_store_idx %arg5[%shift_right_logical3A_654], %broadcast_in_dim3A_1 {add = true} : memref<8192xi32, #tpu.memory_space<vmem>>[vector<16xi32>], vector<16xi32>,
          tpu.vector_store_idx %arg6[%shift_right_logical3A_654], %get3A_643 {add = true} : memref<8192xf32, #tpu.memory_space<vmem>>[vector<16xi32>], vector<16xf32>,
          %max3A_655 = arith.maximumf %max3A_635, %get3A_643 : vector<16xf32>
          %max3A_656 = arith.maxsi %max3A_636, %shift_right_logical3A_654 : vector<16xi32>
          %get3A_657 = arith.constant 0 : i32
          %get3A_658 = arith.constant 0 : i32
          %get3A_659 = tpu.memref_slice %arg4[%scan3A_262, %get3A_657, %get3A_658] : memref<2x96x384xf32, #tpu.memory_space<vmem>> -> memref<1x96x384xf32, #tpu.memory_space<vmem>>
          %get3A_660 = tpu.memref_squeeze %get3A_659 : memref<1x96x384xf32, #tpu.memory_space<vmem>> -> memref<96x384xf32, #tpu.memory_space<vmem>>
          %get3A_661 = arith.index_cast %scan3A_300 : i32 to index
          %get3A_662 = arith.constant 288 : index
          %get3A_663 = tpu.vector_load %get3A_660[%get3A_661, %get3A_662] {strides = array<i32>} : memref<96x384xf32, #tpu.memory_space<vmem>>, vector<16xf32>,
          %bitcast3A_664 = vector.bitcast %get3A_663 : vector<16xf32> to vector<16xi32>
          %shift_right_arithmetic3A_665 = arith.constant 31 : i32
          %shift_right_arithmetic3A_666 = vector.broadcast %shift_right_arithmetic3A_665 : i32 to vector<16xi32>
          %shift_right_arithmetic3A_667 = arith.shrsi %bitcast3A_664, %shift_right_arithmetic3A_666 : vector<16xi32>
          %or3A_668 = arith.constant -2147483648 : i32
          %or3A_669 = vector.broadcast %or3A_668 : i32 to vector<16xi32>
          %or3A_670 = arith.ori %shift_right_arithmetic3A_667, %or3A_669 : vector<16xi32>
          %xor3A_671 = arith.xori %bitcast3A_664, %or3A_670 : vector<16xi32>
          %shift_right_logical3A_672 = arith.constant 19 : i32
          %shift_right_logical3A_673 = vector.broadcast %shift_right_logical3A_672 : i32 to vector<16xi32>
          %shift_right_logical3A_674 = arith.shrui %xor3A_671, %shift_right_logical3A_673 : vector<16xi32>
          tpu.vector_store_idx %arg5[%shift_right_logical3A_674], %broadcast_in_dim3A_1 {add = true} : memref<8192xi32, #tpu.memory_space<vmem>>[vector<16xi32>], vector<16xi32>,
          tpu.vector_store_idx %arg6[%shift_right_logical3A_674], %get3A_663 {add = true} : memref<8192xf32, #tpu.memory_space<vmem>>[vector<16xi32>], vector<16xf32>,
          %max3A_675 = arith.maximumf %max3A_655, %get3A_663 : vector<16xf32>
          %max3A_676 = arith.maxsi %max3A_656, %shift_right_logical3A_674 : vector<16xi32>
          %get3A_677 = arith.constant 0 : i32
          %get3A_678 = arith.constant 0 : i32
          %get3A_679 = tpu.memref_slice %arg4[%scan3A_262, %get3A_677, %get3A_678] : memref<2x96x384xf32, #tpu.memory_space<vmem>> -> memref<1x96x384xf32, #tpu.memory_space<vmem>>
          %get3A_680 = tpu.memref_squeeze %get3A_679 : memref<1x96x384xf32, #tpu.memory_space<vmem>> -> memref<96x384xf32, #tpu.memory_space<vmem>>
          %get3A_681 = arith.index_cast %scan3A_300 : i32 to index
          %get3A_682 = arith.constant 304 : index
          %get3A_683 = tpu.vector_load %get3A_680[%get3A_681, %get3A_682] {strides = array<i32>} : memref<96x384xf32, #tpu.memory_space<vmem>>, vector<16xf32>,
          %bitcast3A_684 = vector.bitcast %get3A_683 : vector<16xf32> to vector<16xi32>
          %shift_right_arithmetic3A_685 = arith.constant 31 : i32
          %shift_right_arithmetic3A_686 = vector.broadcast %shift_right_arithmetic3A_685 : i32 to vector<16xi32>
          %shift_right_arithmetic3A_687 = arith.shrsi %bitcast3A_684, %shift_right_arithmetic3A_686 : vector<16xi32>
          %or3A_688 = arith.constant -2147483648 : i32
          %or3A_689 = vector.broadcast %or3A_688 : i32 to vector<16xi32>
          %or3A_690 = arith.ori %shift_right_arithmetic3A_687, %or3A_689 : vector<16xi32>
          %xor3A_691 = arith.xori %bitcast3A_684, %or3A_690 : vector<16xi32>
          %shift_right_logical3A_692 = arith.constant 19 : i32
          %shift_right_logical3A_693 = vector.broadcast %shift_right_logical3A_692 : i32 to vector<16xi32>
          %shift_right_logical3A_694 = arith.shrui %xor3A_691, %shift_right_logical3A_693 : vector<16xi32>
          tpu.vector_store_idx %arg5[%shift_right_logical3A_694], %broadcast_in_dim3A_1 {add = true} : memref<8192xi32, #tpu.memory_space<vmem>>[vector<16xi32>], vector<16xi32>,
          tpu.vector_store_idx %arg6[%shift_right_logical3A_694], %get3A_683 {add = true} : memref<8192xf32, #tpu.memory_space<vmem>>[vector<16xi32>], vector<16xf32>,
          %max3A_695 = arith.maximumf %max3A_675, %get3A_683 : vector<16xf32>
          %max3A_696 = arith.maxsi %max3A_676, %shift_right_logical3A_694 : vector<16xi32>
          %get3A_697 = arith.constant 0 : i32
          %get3A_698 = arith.constant 0 : i32
          %get3A_699 = tpu.memref_slice %arg4[%scan3A_262, %get3A_697, %get3A_698] : memref<2x96x384xf32, #tpu.memory_space<vmem>> -> memref<1x96x384xf32, #tpu.memory_space<vmem>>
          %get3A_700 = tpu.memref_squeeze %get3A_699 : memref<1x96x384xf32, #tpu.memory_space<vmem>> -> memref<96x384xf32, #tpu.memory_space<vmem>>
          %get3A_701 = arith.index_cast %scan3A_300 : i32 to index
          %get3A_702 = arith.constant 320 : index
          %get3A_703 = tpu.vector_load %get3A_700[%get3A_701, %get3A_702] {strides = array<i32>} : memref<96x384xf32, #tpu.memory_space<vmem>>, vector<16xf32>,
          %bitcast3A_704 = vector.bitcast %get3A_703 : vector<16xf32> to vector<16xi32>
          %shift_right_arithmetic3A_705 = arith.constant 31 : i32
          %shift_right_arithmetic3A_706 = vector.broadcast %shift_right_arithmetic3A_705 : i32 to vector<16xi32>
          %shift_right_arithmetic3A_707 = arith.shrsi %bitcast3A_704, %shift_right_arithmetic3A_706 : vector<16xi32>
          %or3A_708 = arith.constant -2147483648 : i32
          %or3A_709 = vector.broadcast %or3A_708 : i32 to vector<16xi32>
          %or3A_710 = arith.ori %shift_right_arithmetic3A_707, %or3A_709 : vector<16xi32>
          %xor3A_711 = arith.xori %bitcast3A_704, %or3A_710 : vector<16xi32>
          %shift_right_logical3A_712 = arith.constant 19 : i32
          %shift_right_logical3A_713 = vector.broadcast %shift_right_logical3A_712 : i32 to vector<16xi32>
          %shift_right_logical3A_714 = arith.shrui %xor3A_711, %shift_right_logical3A_713 : vector<16xi32>
          tpu.vector_store_idx %arg5[%shift_right_logical3A_714], %broadcast_in_dim3A_1 {add = true} : memref<8192xi32, #tpu.memory_space<vmem>>[vector<16xi32>], vector<16xi32>,
          tpu.vector_store_idx %arg6[%shift_right_logical3A_714], %get3A_703 {add = true} : memref<8192xf32, #tpu.memory_space<vmem>>[vector<16xi32>], vector<16xf32>,
          %max3A_715 = arith.maximumf %max3A_695, %get3A_703 : vector<16xf32>
          %max3A_716 = arith.maxsi %max3A_696, %shift_right_logical3A_714 : vector<16xi32>
          %get3A_717 = arith.constant 0 : i32
          %get3A_718 = arith.constant 0 : i32
          %get3A_719 = tpu.memref_slice %arg4[%scan3A_262, %get3A_717, %get3A_718] : memref<2x96x384xf32, #tpu.memory_space<vmem>> -> memref<1x96x384xf32, #tpu.memory_space<vmem>>
          %get3A_720 = tpu.memref_squeeze %get3A_719 : memref<1x96x384xf32, #tpu.memory_space<vmem>> -> memref<96x384xf32, #tpu.memory_space<vmem>>
          %get3A_721 = arith.index_cast %scan3A_300 : i32 to index
          %get3A_722 = arith.constant 336 : index
          %get3A_723 = tpu.vector_load %get3A_720[%get3A_721, %get3A_722] {strides = array<i32>} : memref<96x384xf32, #tpu.memory_space<vmem>>, vector<16xf32>,
          %bitcast3A_724 = vector.bitcast %get3A_723 : vector<16xf32> to vector<16xi32>
          %shift_right_arithmetic3A_725 = arith.constant 31 : i32
          %shift_right_arithmetic3A_726 = vector.broadcast %shift_right_arithmetic3A_725 : i32 to vector<16xi32>
          %shift_right_arithmetic3A_727 = arith.shrsi %bitcast3A_724, %shift_right_arithmetic3A_726 : vector<16xi32>
          %or3A_728 = arith.constant -2147483648 : i32
          %or3A_729 = vector.broadcast %or3A_728 : i32 to vector<16xi32>
          %or3A_730 = arith.ori %shift_right_arithmetic3A_727, %or3A_729 : vector<16xi32>
          %xor3A_731 = arith.xori %bitcast3A_724, %or3A_730 : vector<16xi32>
          %shift_right_logical3A_732 = arith.constant 19 : i32
          %shift_right_logical3A_733 = vector.broadcast %shift_right_logical3A_732 : i32 to vector<16xi32>
          %shift_right_logical3A_734 = arith.shrui %xor3A_731, %shift_right_logical3A_733 : vector<16xi32>
          tpu.vector_store_idx %arg5[%shift_right_logical3A_734], %broadcast_in_dim3A_1 {add = true} : memref<8192xi32, #tpu.memory_space<vmem>>[vector<16xi32>], vector<16xi32>,
          tpu.vector_store_idx %arg6[%shift_right_logical3A_734], %get3A_723 {add = true} : memref<8192xf32, #tpu.memory_space<vmem>>[vector<16xi32>], vector<16xf32>,
          %max3A_735 = arith.maximumf %max3A_715, %get3A_723 : vector<16xf32>
          %max3A_736 = arith.maxsi %max3A_716, %shift_right_logical3A_734 : vector<16xi32>
          %get3A_737 = arith.constant 0 : i32
          %get3A_738 = arith.constant 0 : i32
          %get3A_739 = tpu.memref_slice %arg4[%scan3A_262, %get3A_737, %get3A_738] : memref<2x96x384xf32, #tpu.memory_space<vmem>> -> memref<1x96x384xf32, #tpu.memory_space<vmem>>
          %get3A_740 = tpu.memref_squeeze %get3A_739 : memref<1x96x384xf32, #tpu.memory_space<vmem>> -> memref<96x384xf32, #tpu.memory_space<vmem>>
          %get3A_741 = arith.index_cast %scan3A_300 : i32 to index
          %get3A_742 = arith.constant 352 : index
          %get3A_743 = tpu.vector_load %get3A_740[%get3A_741, %get3A_742] {strides = array<i32>} : memref<96x384xf32, #tpu.memory_space<vmem>>, vector<16xf32>,
          %bitcast3A_744 = vector.bitcast %get3A_743 : vector<16xf32> to vector<16xi32>
          %shift_right_arithmetic3A_745 = arith.constant 31 : i32
          %shift_right_arithmetic3A_746 = vector.broadcast %shift_right_arithmetic3A_745 : i32 to vector<16xi32>
          %shift_right_arithmetic3A_747 = arith.shrsi %bitcast3A_744, %shift_right_arithmetic3A_746 : vector<16xi32>
          %or3A_748 = arith.constant -2147483648 : i32
          %or3A_749 = vector.broadcast %or3A_748 : i32 to vector<16xi32>
          %or3A_750 = arith.ori %shift_right_arithmetic3A_747, %or3A_749 : vector<16xi32>
          %xor3A_751 = arith.xori %bitcast3A_744, %or3A_750 : vector<16xi32>
          %shift_right_logical3A_752 = arith.constant 19 : i32
          %shift_right_logical3A_753 = vector.broadcast %shift_right_logical3A_752 : i32 to vector<16xi32>
          %shift_right_logical3A_754 = arith.shrui %xor3A_751, %shift_right_logical3A_753 : vector<16xi32>
          tpu.vector_store_idx %arg5[%shift_right_logical3A_754], %broadcast_in_dim3A_1 {add = true} : memref<8192xi32, #tpu.memory_space<vmem>>[vector<16xi32>], vector<16xi32>,
          tpu.vector_store_idx %arg6[%shift_right_logical3A_754], %get3A_743 {add = true} : memref<8192xf32, #tpu.memory_space<vmem>>[vector<16xi32>], vector<16xf32>,
          %max3A_755 = arith.maximumf %max3A_735, %get3A_743 : vector<16xf32>
          %max3A_756 = arith.maxsi %max3A_736, %shift_right_logical3A_754 : vector<16xi32>
          %get3A_757 = arith.constant 0 : i32
          %get3A_758 = arith.constant 0 : i32
          %get3A_759 = tpu.memref_slice %arg4[%scan3A_262, %get3A_757, %get3A_758] : memref<2x96x384xf32, #tpu.memory_space<vmem>> -> memref<1x96x384xf32, #tpu.memory_space<vmem>>
          %get3A_760 = tpu.memref_squeeze %get3A_759 : memref<1x96x384xf32, #tpu.memory_space<vmem>> -> memref<96x384xf32, #tpu.memory_space<vmem>>
          %get3A_761 = arith.index_cast %scan3A_300 : i32 to index
          %get3A_762 = arith.constant 368 : index
          %get3A_763 = tpu.vector_load %get3A_760[%get3A_761, %get3A_762] {strides = array<i32>} : memref<96x384xf32, #tpu.memory_space<vmem>>, vector<16xf32>,
          %bitcast3A_764 = vector.bitcast %get3A_763 : vector<16xf32> to vector<16xi32>
          %shift_right_arithmetic3A_765 = arith.constant 31 : i32
          %shift_right_arithmetic3A_766 = vector.broadcast %shift_right_arithmetic3A_765 : i32 to vector<16xi32>
          %shift_right_arithmetic3A_767 = arith.shrsi %bitcast3A_764, %shift_right_arithmetic3A_766 : vector<16xi32>
          %or3A_768 = arith.constant -2147483648 : i32
          %or3A_769 = vector.broadcast %or3A_768 : i32 to vector<16xi32>
          %or3A_770 = arith.ori %shift_right_arithmetic3A_767, %or3A_769 : vector<16xi32>
          %xor3A_771 = arith.xori %bitcast3A_764, %or3A_770 : vector<16xi32>
          %shift_right_logical3A_772 = arith.constant 19 : i32
          %shift_right_logical3A_773 = vector.broadcast %shift_right_logical3A_772 : i32 to vector<16xi32>
          %shift_right_logical3A_774 = arith.shrui %xor3A_771, %shift_right_logical3A_773 : vector<16xi32>
          tpu.vector_store_idx %arg5[%shift_right_logical3A_774], %broadcast_in_dim3A_1 {add = true} : memref<8192xi32, #tpu.memory_space<vmem>>[vector<16xi32>], vector<16xi32>,
          tpu.vector_store_idx %arg6[%shift_right_logical3A_774], %get3A_763 {add = true} : memref<8192xf32, #tpu.memory_space<vmem>>[vector<16xi32>], vector<16xf32>,
          %max3A_775 = arith.maximumf %max3A_755, %get3A_763 : vector<16xf32>
          %max3A_776 = arith.maxsi %max3A_756, %shift_right_logical3A_774 : vector<16xi32>
          scf.yield %max3A_775, %max3A_776 : vector<16xf32>, vector<16xi32>
        }
        %scan3A_268 = arith.constant 96 : i32
        %add3A_269 = arith.constant 2 : i32
        %add3A_270 = arith.addi %mul3A_226, %add3A_269 : i32
        %lt3A = arith.constant 4 : i32
        %lt3A_271 = arith.cmpi slt, %add3A_270, %lt3A : i32
        %convert_element_type3A_272 = arith.extui %lt3A_271 : i1 to i32
        %cond3A = arith.constant 0 : i32
        %cond3A_273 = arith.cmpi ne, %convert_element_type3A_272, %cond3A : i32
        scf.if %cond3A_273 {
          %add3A_300 = arith.constant 2 : i32
          %add3A_301 = arith.addi %mul3A_226, %add3A_300 : i32
          %mul3A_302 = arith.constant 96 : i32
          %mul3A_303 = arith.muli %add3A_301, %mul3A_302 : i32
          %dma_start3A_304 = arith.constant 0 : i32
          %dma_start3A_305 = arith.constant 0 : i32
          %dma_start3A_306 = arith.constant 0 : i32
          %dma_start3A_307 = tpu.memref_slice %arg4[%dma_start3A_304, %dma_start3A_305, %dma_start3A_306] : memref<2x96x384xf32, #tpu.memory_space<vmem>> -> memref<1x96x384xf32, #tpu.memory_space<vmem>>
          %dma_start3A_308 = tpu.memref_squeeze %dma_start3A_307 : memref<1x96x384xf32, #tpu.memory_space<vmem>> -> memref<96x384xf32, #tpu.memory_space<vmem>>
          %dma_start3A_309 = arith.constant 0 : i32
          %dma_start3A_310 = tpu.memref_slice %arg2[%add3A_13, %mul3A_303, %dma_start3A_309] : memref<768x384x384xf32, #tpu.memory_space<hbm>> -> memref<1x96x384xf32, #tpu.memory_space<hbm>>
          %dma_start3A_311 = tpu.memref_squeeze %dma_start3A_310 : memref<1x96x384xf32, #tpu.memory_space<hbm>> -> memref<96x384xf32, #tpu.memory_space<hbm>>
          %dma_start3A_312 = arith.constant 0 : i32
          %dma_start3A_313 = arith.constant 0 : i32
          %dma_start3A_314 = tpu.memref_slice %arg4[%dma_start3A_304, %dma_start3A_312, %dma_start3A_313] : memref<2x96x384xf32, #tpu.memory_space<vmem>> -> memref<1x96x384xf32, #tpu.memory_space<vmem>>
          %dma_start3A_315 = tpu.memref_squeeze %dma_start3A_314 : memref<1x96x384xf32, #tpu.memory_space<vmem>> -> memref<96x384xf32, #tpu.memory_space<vmem>>
          %dma_start3A_316 = arith.constant 0 : i32
          %dma_start3A_317 = tpu.memref_slice %arg2[%add3A_13, %mul3A_303, %dma_start3A_316] : memref<768x384x384xf32, #tpu.memory_space<hbm>> -> memref<1x96x384xf32, #tpu.memory_space<hbm>>
          %dma_start3A_318 = tpu.memref_squeeze %dma_start3A_317 : memref<1x96x384xf32, #tpu.memory_space<hbm>> -> memref<96x384xf32, #tpu.memory_space<hbm>>
          tpu.enqueue_dma source(%dma_start3A_318 : memref<96x384xf32, #tpu.memory_space<hbm>>) target(%dma_start3A_315 : memref<96x384xf32, #tpu.memory_space<vmem>>) target_semaphore(%arg8 : memref<!tpu.dma_semaphore, #tpu.memory_space<semaphore_mem>>)
        } else {
        }
        %add3A_274 = arith.constant 1 : i32
        %add3A_275 = arith.addi %mul3A_226, %add3A_274 : i32
        %mul3A_276 = arith.constant 96 : i32
        %mul3A_277 = arith.muli %add3A_275, %mul3A_276 : i32
        %dma_wait3A_278 = arith.constant 1 : i32
        %dma_wait3A_279 = arith.constant 0 : i32
        %dma_wait3A_280 = arith.constant 0 : i32
        %dma_wait3A_281 = tpu.memref_slice %arg4[%dma_wait3A_278, %dma_wait3A_279, %dma_wait3A_280] : memref<2x96x384xf32, #tpu.memory_space<vmem>> -> memref<1x96x384xf32, #tpu.memory_space<vmem>>
        %dma_wait3A_282 = tpu.memref_squeeze %dma_wait3A_281 : memref<1x96x384xf32, #tpu.memory_space<vmem>> -> memref<96x384xf32, #tpu.memory_space<vmem>>
        %dma_wait3A_283 = arith.constant 0 : i32
        %dma_wait3A_284 = tpu.memref_slice %arg2[%add3A_13, %mul3A_277, %dma_wait3A_283] : memref<768x384x384xf32, #tpu.memory_space<hbm>> -> memref<1x96x384xf32, #tpu.memory_space<hbm>>
        %dma_wait3A_285 = tpu.memref_squeeze %dma_wait3A_284 : memref<1x96x384xf32, #tpu.memory_space<hbm>> -> memref<96x384xf32, #tpu.memory_space<hbm>>
        %dma_wait3A_286 = arith.constant 0 : i32
        %dma_wait3A_287 = arith.constant 0 : i32
        %dma_wait3A_288 = tpu.memref_slice %arg4[%dma_wait3A_278, %dma_wait3A_286, %dma_wait3A_287] : memref<2x96x384xf32, #tpu.memory_space<vmem>> -> memref<1x96x384xf32, #tpu.memory_space<vmem>>
        %dma_wait3A_289 = tpu.memref_squeeze %dma_wait3A_288 : memref<1x96x384xf32, #tpu.memory_space<vmem>> -> memref<96x384xf32, #tpu.memory_space<vmem>>
        %dma_wait3A_290 = arith.constant 0 : i32
        %dma_wait3A_291 = tpu.memref_slice %arg2[%add3A_13, %mul3A_277, %dma_wait3A_290] : memref<768x384x384xf32, #tpu.memory_space<hbm>> -> memref<1x96x384xf32, #tpu.memory_space<hbm>>
        %dma_wait3A_292 = tpu.memref_squeeze %dma_wait3A_291 : memref<1x96x384xf32, #tpu.memory_space<hbm>> -> memref<96x384xf32, #tpu.memory_space<hbm>>
        tpu.wait_dma2 semaphore(%arg9 : memref<!tpu.dma_semaphore, #tpu.memory_space<semaphore_mem>>) src(%dma_wait3A_292 : memref<96x384xf32, #tpu.memory_space<hbm>>) dst(%dma_wait3A_289 : memref<96x384xf32, #tpu.memory_space<vmem>>)
        %scan3A_293 = arith.constant 1 : i32
        %scan3A_294 = arith.constant 0 : i32
        %scan3A_295 = arith.constant 96 : i32
        %scan3A_296 = arith.addi %scan3A_294, %scan3A_295 : i32
        %scan3A_297 = arith.constant 1 : i32
        %scan3A_298:2 = scf.for %scan3A_300 = %scan3A_294 to %scan3A_296 step %scan3A_297 iter_args(%scan3A_301 = %scan3A_267#0, %scan3A_302 = %scan3A_267#1) -> (vector<16xf32>, vector<16xi32>)  : i32 {
          %get3A_303 = arith.constant 0 : i32
          %get3A_304 = arith.constant 0 : i32
          %get3A_305 = tpu.memref_slice %arg4[%scan3A_293, %get3A_303, %get3A_304] : memref<2x96x384xf32, #tpu.memory_space<vmem>> -> memref<1x96x384xf32, #tpu.memory_space<vmem>>
          %get3A_306 = tpu.memref_squeeze %get3A_305 : memref<1x96x384xf32, #tpu.memory_space<vmem>> -> memref<96x384xf32, #tpu.memory_space<vmem>>
          %get3A_307 = arith.index_cast %scan3A_300 : i32 to index
          %get3A_308 = arith.constant 0 : index
          %get3A_309 = tpu.vector_load %get3A_306[%get3A_307, %get3A_308] {strides = array<i32>} : memref<96x384xf32, #tpu.memory_space<vmem>>, vector<16xf32>,
          %bitcast3A = vector.bitcast %get3A_309 : vector<16xf32> to vector<16xi32>
          %shift_right_arithmetic3A = arith.constant 31 : i32
          %shift_right_arithmetic3A_310 = vector.broadcast %shift_right_arithmetic3A : i32 to vector<16xi32>
          %shift_right_arithmetic3A_311 = arith.shrsi %bitcast3A, %shift_right_arithmetic3A_310 : vector<16xi32>
          %or3A = arith.constant -2147483648 : i32
          %or3A_312 = vector.broadcast %or3A : i32 to vector<16xi32>
          %or3A_313 = arith.ori %shift_right_arithmetic3A_311, %or3A_312 : vector<16xi32>
          %xor3A = arith.xori %bitcast3A, %or3A_313 : vector<16xi32>
          %shift_right_logical3A = arith.constant 19 : i32
          %shift_right_logical3A_314 = vector.broadcast %shift_right_logical3A : i32 to vector<16xi32>
          %shift_right_logical3A_315 = arith.shrui %xor3A, %shift_right_logical3A_314 : vector<16xi32>
          tpu.vector_store_idx %arg5[%shift_right_logical3A_315], %broadcast_in_dim3A_1 {add = true} : memref<8192xi32, #tpu.memory_space<vmem>>[vector<16xi32>], vector<16xi32>,
          tpu.vector_store_idx %arg6[%shift_right_logical3A_315], %get3A_309 {add = true} : memref<8192xf32, #tpu.memory_space<vmem>>[vector<16xi32>], vector<16xf32>,
          %max3A = arith.maximumf %scan3A_301, %get3A_309 : vector<16xf32>
          %max3A_316 = arith.maxsi %scan3A_302, %shift_right_logical3A_315 : vector<16xi32>
          %get3A_317 = arith.constant 0 : i32
          %get3A_318 = arith.constant 0 : i32
          %get3A_319 = tpu.memref_slice %arg4[%scan3A_293, %get3A_317, %get3A_318] : memref<2x96x384xf32, #tpu.memory_space<vmem>> -> memref<1x96x384xf32, #tpu.memory_space<vmem>>
          %get3A_320 = tpu.memref_squeeze %get3A_319 : memref<1x96x384xf32, #tpu.memory_space<vmem>> -> memref<96x384xf32, #tpu.memory_space<vmem>>
          %get3A_321 = arith.index_cast %scan3A_300 : i32 to index
          %get3A_322 = arith.constant 16 : index
          %get3A_323 = tpu.vector_load %get3A_320[%get3A_321, %get3A_322] {strides = array<i32>} : memref<96x384xf32, #tpu.memory_space<vmem>>, vector<16xf32>,
          %bitcast3A_324 = vector.bitcast %get3A_323 : vector<16xf32> to vector<16xi32>
          %shift_right_arithmetic3A_325 = arith.constant 31 : i32
          %shift_right_arithmetic3A_326 = vector.broadcast %shift_right_arithmetic3A_325 : i32 to vector<16xi32>
          %shift_right_arithmetic3A_327 = arith.shrsi %bitcast3A_324, %shift_right_arithmetic3A_326 : vector<16xi32>
          %or3A_328 = arith.constant -2147483648 : i32
          %or3A_329 = vector.broadcast %or3A_328 : i32 to vector<16xi32>
          %or3A_330 = arith.ori %shift_right_arithmetic3A_327, %or3A_329 : vector<16xi32>
          %xor3A_331 = arith.xori %bitcast3A_324, %or3A_330 : vector<16xi32>
          %shift_right_logical3A_332 = arith.constant 19 : i32
          %shift_right_logical3A_333 = vector.broadcast %shift_right_logical3A_332 : i32 to vector<16xi32>
          %shift_right_logical3A_334 = arith.shrui %xor3A_331, %shift_right_logical3A_333 : vector<16xi32>
          tpu.vector_store_idx %arg5[%shift_right_logical3A_334], %broadcast_in_dim3A_1 {add = true} : memref<8192xi32, #tpu.memory_space<vmem>>[vector<16xi32>], vector<16xi32>,
          tpu.vector_store_idx %arg6[%shift_right_logical3A_334], %get3A_323 {add = true} : memref<8192xf32, #tpu.memory_space<vmem>>[vector<16xi32>], vector<16xf32>,
          %max3A_335 = arith.maximumf %max3A, %get3A_323 : vector<16xf32>
          %max3A_336 = arith.maxsi %max3A_316, %shift_right_logical3A_334 : vector<16xi32>
          %get3A_337 = arith.constant 0 : i32
          %get3A_338 = arith.constant 0 : i32
          %get3A_339 = tpu.memref_slice %arg4[%scan3A_293, %get3A_337, %get3A_338] : memref<2x96x384xf32, #tpu.memory_space<vmem>> -> memref<1x96x384xf32, #tpu.memory_space<vmem>>
          %get3A_340 = tpu.memref_squeeze %get3A_339 : memref<1x96x384xf32, #tpu.memory_space<vmem>> -> memref<96x384xf32, #tpu.memory_space<vmem>>
          %get3A_341 = arith.index_cast %scan3A_300 : i32 to index
          %get3A_342 = arith.constant 32 : index
          %get3A_343 = tpu.vector_load %get3A_340[%get3A_341, %get3A_342] {strides = array<i32>} : memref<96x384xf32, #tpu.memory_space<vmem>>, vector<16xf32>,
          %bitcast3A_344 = vector.bitcast %get3A_343 : vector<16xf32> to vector<16xi32>
          %shift_right_arithmetic3A_345 = arith.constant 31 : i32
          %shift_right_arithmetic3A_346 = vector.broadcast %shift_right_arithmetic3A_345 : i32 to vector<16xi32>
          %shift_right_arithmetic3A_347 = arith.shrsi %bitcast3A_344, %shift_right_arithmetic3A_346 : vector<16xi32>
          %or3A_348 = arith.constant -2147483648 : i32
          %or3A_349 = vector.broadcast %or3A_348 : i32 to vector<16xi32>
          %or3A_350 = arith.ori %shift_right_arithmetic3A_347, %or3A_349 : vector<16xi32>
          %xor3A_351 = arith.xori %bitcast3A_344, %or3A_350 : vector<16xi32>
          %shift_right_logical3A_352 = arith.constant 19 : i32
          %shift_right_logical3A_353 = vector.broadcast %shift_right_logical3A_352 : i32 to vector<16xi32>
          %shift_right_logical3A_354 = arith.shrui %xor3A_351, %shift_right_logical3A_353 : vector<16xi32>
          tpu.vector_store_idx %arg5[%shift_right_logical3A_354], %broadcast_in_dim3A_1 {add = true} : memref<8192xi32, #tpu.memory_space<vmem>>[vector<16xi32>], vector<16xi32>,
          tpu.vector_store_idx %arg6[%shift_right_logical3A_354], %get3A_343 {add = true} : memref<8192xf32, #tpu.memory_space<vmem>>[vector<16xi32>], vector<16xf32>,
          %max3A_355 = arith.maximumf %max3A_335, %get3A_343 : vector<16xf32>
          %max3A_356 = arith.maxsi %max3A_336, %shift_right_logical3A_354 : vector<16xi32>
          %get3A_357 = arith.constant 0 : i32
          %get3A_358 = arith.constant 0 : i32
          %get3A_359 = tpu.memref_slice %arg4[%scan3A_293, %get3A_357, %get3A_358] : memref<2x96x384xf32, #tpu.memory_space<vmem>> -> memref<1x96x384xf32, #tpu.memory_space<vmem>>
          %get3A_360 = tpu.memref_squeeze %get3A_359 : memref<1x96x384xf32, #tpu.memory_space<vmem>> -> memref<96x384xf32, #tpu.memory_space<vmem>>
          %get3A_361 = arith.index_cast %scan3A_300 : i32 to index
          %get3A_362 = arith.constant 48 : index
          %get3A_363 = tpu.vector_load %get3A_360[%get3A_361, %get3A_362] {strides = array<i32>} : memref<96x384xf32, #tpu.memory_space<vmem>>, vector<16xf32>,
          %bitcast3A_364 = vector.bitcast %get3A_363 : vector<16xf32> to vector<16xi32>
          %shift_right_arithmetic3A_365 = arith.constant 31 : i32
          %shift_right_arithmetic3A_366 = vector.broadcast %shift_right_arithmetic3A_365 : i32 to vector<16xi32>
          %shift_right_arithmetic3A_367 = arith.shrsi %bitcast3A_364, %shift_right_arithmetic3A_366 : vector<16xi32>
          %or3A_368 = arith.constant -2147483648 : i32
          %or3A_369 = vector.broadcast %or3A_368 : i32 to vector<16xi32>
          %or3A_370 = arith.ori %shift_right_arithmetic3A_367, %or3A_369 : vector<16xi32>
          %xor3A_371 = arith.xori %bitcast3A_364, %or3A_370 : vector<16xi32>
          %shift_right_logical3A_372 = arith.constant 19 : i32
          %shift_right_logical3A_373 = vector.broadcast %shift_right_logical3A_372 : i32 to vector<16xi32>
          %shift_right_logical3A_374 = arith.shrui %xor3A_371, %shift_right_logical3A_373 : vector<16xi32>
          tpu.vector_store_idx %arg5[%shift_right_logical3A_374], %broadcast_in_dim3A_1 {add = true} : memref<8192xi32, #tpu.memory_space<vmem>>[vector<16xi32>], vector<16xi32>,
          tpu.vector_store_idx %arg6[%shift_right_logical3A_374], %get3A_363 {add = true} : memref<8192xf32, #tpu.memory_space<vmem>>[vector<16xi32>], vector<16xf32>,
          %max3A_375 = arith.maximumf %max3A_355, %get3A_363 : vector<16xf32>
          %max3A_376 = arith.maxsi %max3A_356, %shift_right_logical3A_374 : vector<16xi32>
          %get3A_377 = arith.constant 0 : i32
          %get3A_378 = arith.constant 0 : i32
          %get3A_379 = tpu.memref_slice %arg4[%scan3A_293, %get3A_377, %get3A_378] : memref<2x96x384xf32, #tpu.memory_space<vmem>> -> memref<1x96x384xf32, #tpu.memory_space<vmem>>
          %get3A_380 = tpu.memref_squeeze %get3A_379 : memref<1x96x384xf32, #tpu.memory_space<vmem>> -> memref<96x384xf32, #tpu.memory_space<vmem>>
          %get3A_381 = arith.index_cast %scan3A_300 : i32 to index
          %get3A_382 = arith.constant 64 : index
          %get3A_383 = tpu.vector_load %get3A_380[%get3A_381, %get3A_382] {strides = array<i32>} : memref<96x384xf32, #tpu.memory_space<vmem>>, vector<16xf32>,
          %bitcast3A_384 = vector.bitcast %get3A_383 : vector<16xf32> to vector<16xi32>
          %shift_right_arithmetic3A_385 = arith.constant 31 : i32
          %shift_right_arithmetic3A_386 = vector.broadcast %shift_right_arithmetic3A_385 : i32 to vector<16xi32>
          %shift_right_arithmetic3A_387 = arith.shrsi %bitcast3A_384, %shift_right_arithmetic3A_386 : vector<16xi32>
          %or3A_388 = arith.constant -2147483648 : i32
          %or3A_389 = vector.broadcast %or3A_388 : i32 to vector<16xi32>
          %or3A_390 = arith.ori %shift_right_arithmetic3A_387, %or3A_389 : vector<16xi32>
          %xor3A_391 = arith.xori %bitcast3A_384, %or3A_390 : vector<16xi32>
          %shift_right_logical3A_392 = arith.constant 19 : i32
          %shift_right_logical3A_393 = vector.broadcast %shift_right_logical3A_392 : i32 to vector<16xi32>
          %shift_right_logical3A_394 = arith.shrui %xor3A_391, %shift_right_logical3A_393 : vector<16xi32>
          tpu.vector_store_idx %arg5[%shift_right_logical3A_394], %broadcast_in_dim3A_1 {add = true} : memref<8192xi32, #tpu.memory_space<vmem>>[vector<16xi32>], vector<16xi32>,
          tpu.vector_store_idx %arg6[%shift_right_logical3A_394], %get3A_383 {add = true} : memref<8192xf32, #tpu.memory_space<vmem>>[vector<16xi32>], vector<16xf32>,
          %max3A_395 = arith.maximumf %max3A_375, %get3A_383 : vector<16xf32>
          %max3A_396 = arith.maxsi %max3A_376, %shift_right_logical3A_394 : vector<16xi32>
          %get3A_397 = arith.constant 0 : i32
          %get3A_398 = arith.constant 0 : i32
          %get3A_399 = tpu.memref_slice %arg4[%scan3A_293, %get3A_397, %get3A_398] : memref<2x96x384xf32, #tpu.memory_space<vmem>> -> memref<1x96x384xf32, #tpu.memory_space<vmem>>
          %get3A_400 = tpu.memref_squeeze %get3A_399 : memref<1x96x384xf32, #tpu.memory_space<vmem>> -> memref<96x384xf32, #tpu.memory_space<vmem>>
          %get3A_401 = arith.index_cast %scan3A_300 : i32 to index
          %get3A_402 = arith.constant 80 : index
          %get3A_403 = tpu.vector_load %get3A_400[%get3A_401, %get3A_402] {strides = array<i32>} : memref<96x384xf32, #tpu.memory_space<vmem>>, vector<16xf32>,
          %bitcast3A_404 = vector.bitcast %get3A_403 : vector<16xf32> to vector<16xi32>
          %shift_right_arithmetic3A_405 = arith.constant 31 : i32
          %shift_right_arithmetic3A_406 = vector.broadcast %shift_right_arithmetic3A_405 : i32 to vector<16xi32>
          %shift_right_arithmetic3A_407 = arith.shrsi %bitcast3A_404, %shift_right_arithmetic3A_406 : vector<16xi32>
          %or3A_408 = arith.constant -2147483648 : i32
          %or3A_409 = vector.broadcast %or3A_408 : i32 to vector<16xi32>
          %or3A_410 = arith.ori %shift_right_arithmetic3A_407, %or3A_409 : vector<16xi32>
          %xor3A_411 = arith.xori %bitcast3A_404, %or3A_410 : vector<16xi32>
          %shift_right_logical3A_412 = arith.constant 19 : i32
          %shift_right_logical3A_413 = vector.broadcast %shift_right_logical3A_412 : i32 to vector<16xi32>
          %shift_right_logical3A_414 = arith.shrui %xor3A_411, %shift_right_logical3A_413 : vector<16xi32>
          tpu.vector_store_idx %arg5[%shift_right_logical3A_414], %broadcast_in_dim3A_1 {add = true} : memref<8192xi32, #tpu.memory_space<vmem>>[vector<16xi32>], vector<16xi32>,
          tpu.vector_store_idx %arg6[%shift_right_logical3A_414], %get3A_403 {add = true} : memref<8192xf32, #tpu.memory_space<vmem>>[vector<16xi32>], vector<16xf32>,
          %max3A_415 = arith.maximumf %max3A_395, %get3A_403 : vector<16xf32>
          %max3A_416 = arith.maxsi %max3A_396, %shift_right_logical3A_414 : vector<16xi32>
          %get3A_417 = arith.constant 0 : i32
          %get3A_418 = arith.constant 0 : i32
          %get3A_419 = tpu.memref_slice %arg4[%scan3A_293, %get3A_417, %get3A_418] : memref<2x96x384xf32, #tpu.memory_space<vmem>> -> memref<1x96x384xf32, #tpu.memory_space<vmem>>
          %get3A_420 = tpu.memref_squeeze %get3A_419 : memref<1x96x384xf32, #tpu.memory_space<vmem>> -> memref<96x384xf32, #tpu.memory_space<vmem>>
          %get3A_421 = arith.index_cast %scan3A_300 : i32 to index
          %get3A_422 = arith.constant 96 : index
          %get3A_423 = tpu.vector_load %get3A_420[%get3A_421, %get3A_422] {strides = array<i32>} : memref<96x384xf32, #tpu.memory_space<vmem>>, vector<16xf32>,
          %bitcast3A_424 = vector.bitcast %get3A_423 : vector<16xf32> to vector<16xi32>
          %shift_right_arithmetic3A_425 = arith.constant 31 : i32
          %shift_right_arithmetic3A_426 = vector.broadcast %shift_right_arithmetic3A_425 : i32 to vector<16xi32>
          %shift_right_arithmetic3A_427 = arith.shrsi %bitcast3A_424, %shift_right_arithmetic3A_426 : vector<16xi32>
          %or3A_428 = arith.constant -2147483648 : i32
          %or3A_429 = vector.broadcast %or3A_428 : i32 to vector<16xi32>
          %or3A_430 = arith.ori %shift_right_arithmetic3A_427, %or3A_429 : vector<16xi32>
          %xor3A_431 = arith.xori %bitcast3A_424, %or3A_430 : vector<16xi32>
          %shift_right_logical3A_432 = arith.constant 19 : i32
          %shift_right_logical3A_433 = vector.broadcast %shift_right_logical3A_432 : i32 to vector<16xi32>
          %shift_right_logical3A_434 = arith.shrui %xor3A_431, %shift_right_logical3A_433 : vector<16xi32>
          tpu.vector_store_idx %arg5[%shift_right_logical3A_434], %broadcast_in_dim3A_1 {add = true} : memref<8192xi32, #tpu.memory_space<vmem>>[vector<16xi32>], vector<16xi32>,
          tpu.vector_store_idx %arg6[%shift_right_logical3A_434], %get3A_423 {add = true} : memref<8192xf32, #tpu.memory_space<vmem>>[vector<16xi32>], vector<16xf32>,
          %max3A_435 = arith.maximumf %max3A_415, %get3A_423 : vector<16xf32>
          %max3A_436 = arith.maxsi %max3A_416, %shift_right_logical3A_434 : vector<16xi32>
          %get3A_437 = arith.constant 0 : i32
          %get3A_438 = arith.constant 0 : i32
          %get3A_439 = tpu.memref_slice %arg4[%scan3A_293, %get3A_437, %get3A_438] : memref<2x96x384xf32, #tpu.memory_space<vmem>> -> memref<1x96x384xf32, #tpu.memory_space<vmem>>
          %get3A_440 = tpu.memref_squeeze %get3A_439 : memref<1x96x384xf32, #tpu.memory_space<vmem>> -> memref<96x384xf32, #tpu.memory_space<vmem>>
          %get3A_441 = arith.index_cast %scan3A_300 : i32 to index
          %get3A_442 = arith.constant 112 : index
          %get3A_443 = tpu.vector_load %get3A_440[%get3A_441, %get3A_442] {strides = array<i32>} : memref<96x384xf32, #tpu.memory_space<vmem>>, vector<16xf32>,
          %bitcast3A_444 = vector.bitcast %get3A_443 : vector<16xf32> to vector<16xi32>
          %shift_right_arithmetic3A_445 = arith.constant 31 : i32
          %shift_right_arithmetic3A_446 = vector.broadcast %shift_right_arithmetic3A_445 : i32 to vector<16xi32>
          %shift_right_arithmetic3A_447 = arith.shrsi %bitcast3A_444, %shift_right_arithmetic3A_446 : vector<16xi32>
          %or3A_448 = arith.constant -2147483648 : i32
          %or3A_449 = vector.broadcast %or3A_448 : i32 to vector<16xi32>
          %or3A_450 = arith.ori %shift_right_arithmetic3A_447, %or3A_449 : vector<16xi32>
          %xor3A_451 = arith.xori %bitcast3A_444, %or3A_450 : vector<16xi32>
          %shift_right_logical3A_452 = arith.constant 19 : i32
          %shift_right_logical3A_453 = vector.broadcast %shift_right_logical3A_452 : i32 to vector<16xi32>
          %shift_right_logical3A_454 = arith.shrui %xor3A_451, %shift_right_logical3A_453 : vector<16xi32>
          tpu.vector_store_idx %arg5[%shift_right_logical3A_454], %broadcast_in_dim3A_1 {add = true} : memref<8192xi32, #tpu.memory_space<vmem>>[vector<16xi32>], vector<16xi32>,
          tpu.vector_store_idx %arg6[%shift_right_logical3A_454], %get3A_443 {add = true} : memref<8192xf32, #tpu.memory_space<vmem>>[vector<16xi32>], vector<16xf32>,
          %max3A_455 = arith.maximumf %max3A_435, %get3A_443 : vector<16xf32>
          %max3A_456 = arith.maxsi %max3A_436, %shift_right_logical3A_454 : vector<16xi32>
          %get3A_457 = arith.constant 0 : i32
          %get3A_458 = arith.constant 0 : i32
          %get3A_459 = tpu.memref_slice %arg4[%scan3A_293, %get3A_457, %get3A_458] : memref<2x96x384xf32, #tpu.memory_space<vmem>> -> memref<1x96x384xf32, #tpu.memory_space<vmem>>
          %get3A_460 = tpu.memref_squeeze %get3A_459 : memref<1x96x384xf32, #tpu.memory_space<vmem>> -> memref<96x384xf32, #tpu.memory_space<vmem>>
          %get3A_461 = arith.index_cast %scan3A_300 : i32 to index
          %get3A_462 = arith.constant 128 : index
          %get3A_463 = tpu.vector_load %get3A_460[%get3A_461, %get3A_462] {strides = array<i32>} : memref<96x384xf32, #tpu.memory_space<vmem>>, vector<16xf32>,
          %bitcast3A_464 = vector.bitcast %get3A_463 : vector<16xf32> to vector<16xi32>
          %shift_right_arithmetic3A_465 = arith.constant 31 : i32
          %shift_right_arithmetic3A_466 = vector.broadcast %shift_right_arithmetic3A_465 : i32 to vector<16xi32>
          %shift_right_arithmetic3A_467 = arith.shrsi %bitcast3A_464, %shift_right_arithmetic3A_466 : vector<16xi32>
          %or3A_468 = arith.constant -2147483648 : i32
          %or3A_469 = vector.broadcast %or3A_468 : i32 to vector<16xi32>
          %or3A_470 = arith.ori %shift_right_arithmetic3A_467, %or3A_469 : vector<16xi32>
          %xor3A_471 = arith.xori %bitcast3A_464, %or3A_470 : vector<16xi32>
          %shift_right_logical3A_472 = arith.constant 19 : i32
          %shift_right_logical3A_473 = vector.broadcast %shift_right_logical3A_472 : i32 to vector<16xi32>
          %shift_right_logical3A_474 = arith.shrui %xor3A_471, %shift_right_logical3A_473 : vector<16xi32>
          tpu.vector_store_idx %arg5[%shift_right_logical3A_474], %broadcast_in_dim3A_1 {add = true} : memref<8192xi32, #tpu.memory_space<vmem>>[vector<16xi32>], vector<16xi32>,
          tpu.vector_store_idx %arg6[%shift_right_logical3A_474], %get3A_463 {add = true} : memref<8192xf32, #tpu.memory_space<vmem>>[vector<16xi32>], vector<16xf32>,
          %max3A_475 = arith.maximumf %max3A_455, %get3A_463 : vector<16xf32>
          %max3A_476 = arith.maxsi %max3A_456, %shift_right_logical3A_474 : vector<16xi32>
          %get3A_477 = arith.constant 0 : i32
          %get3A_478 = arith.constant 0 : i32
          %get3A_479 = tpu.memref_slice %arg4[%scan3A_293, %get3A_477, %get3A_478] : memref<2x96x384xf32, #tpu.memory_space<vmem>> -> memref<1x96x384xf32, #tpu.memory_space<vmem>>
          %get3A_480 = tpu.memref_squeeze %get3A_479 : memref<1x96x384xf32, #tpu.memory_space<vmem>> -> memref<96x384xf32, #tpu.memory_space<vmem>>
          %get3A_481 = arith.index_cast %scan3A_300 : i32 to index
          %get3A_482 = arith.constant 144 : index
          %get3A_483 = tpu.vector_load %get3A_480[%get3A_481, %get3A_482] {strides = array<i32>} : memref<96x384xf32, #tpu.memory_space<vmem>>, vector<16xf32>,
          %bitcast3A_484 = vector.bitcast %get3A_483 : vector<16xf32> to vector<16xi32>
          %shift_right_arithmetic3A_485 = arith.constant 31 : i32
          %shift_right_arithmetic3A_486 = vector.broadcast %shift_right_arithmetic3A_485 : i32 to vector<16xi32>
          %shift_right_arithmetic3A_487 = arith.shrsi %bitcast3A_484, %shift_right_arithmetic3A_486 : vector<16xi32>
          %or3A_488 = arith.constant -2147483648 : i32
          %or3A_489 = vector.broadcast %or3A_488 : i32 to vector<16xi32>
          %or3A_490 = arith.ori %shift_right_arithmetic3A_487, %or3A_489 : vector<16xi32>
          %xor3A_491 = arith.xori %bitcast3A_484, %or3A_490 : vector<16xi32>
          %shift_right_logical3A_492 = arith.constant 19 : i32
          %shift_right_logical3A_493 = vector.broadcast %shift_right_logical3A_492 : i32 to vector<16xi32>
          %shift_right_logical3A_494 = arith.shrui %xor3A_491, %shift_right_logical3A_493 : vector<16xi32>
          tpu.vector_store_idx %arg5[%shift_right_logical3A_494], %broadcast_in_dim3A_1 {add = true} : memref<8192xi32, #tpu.memory_space<vmem>>[vector<16xi32>], vector<16xi32>,
          tpu.vector_store_idx %arg6[%shift_right_logical3A_494], %get3A_483 {add = true} : memref<8192xf32, #tpu.memory_space<vmem>>[vector<16xi32>], vector<16xf32>,
          %max3A_495 = arith.maximumf %max3A_475, %get3A_483 : vector<16xf32>
          %max3A_496 = arith.maxsi %max3A_476, %shift_right_logical3A_494 : vector<16xi32>
          %get3A_497 = arith.constant 0 : i32
          %get3A_498 = arith.constant 0 : i32
          %get3A_499 = tpu.memref_slice %arg4[%scan3A_293, %get3A_497, %get3A_498] : memref<2x96x384xf32, #tpu.memory_space<vmem>> -> memref<1x96x384xf32, #tpu.memory_space<vmem>>
          %get3A_500 = tpu.memref_squeeze %get3A_499 : memref<1x96x384xf32, #tpu.memory_space<vmem>> -> memref<96x384xf32, #tpu.memory_space<vmem>>
          %get3A_501 = arith.index_cast %scan3A_300 : i32 to index
          %get3A_502 = arith.constant 160 : index
          %get3A_503 = tpu.vector_load %get3A_500[%get3A_501, %get3A_502] {strides = array<i32>} : memref<96x384xf32, #tpu.memory_space<vmem>>, vector<16xf32>,
          %bitcast3A_504 = vector.bitcast %get3A_503 : vector<16xf32> to vector<16xi32>
          %shift_right_arithmetic3A_505 = arith.constant 31 : i32
          %shift_right_arithmetic3A_506 = vector.broadcast %shift_right_arithmetic3A_505 : i32 to vector<16xi32>
          %shift_right_arithmetic3A_507 = arith.shrsi %bitcast3A_504, %shift_right_arithmetic3A_506 : vector<16xi32>
          %or3A_508 = arith.constant -2147483648 : i32
          %or3A_509 = vector.broadcast %or3A_508 : i32 to vector<16xi32>
          %or3A_510 = arith.ori %shift_right_arithmetic3A_507, %or3A_509 : vector<16xi32>
          %xor3A_511 = arith.xori %bitcast3A_504, %or3A_510 : vector<16xi32>
          %shift_right_logical3A_512 = arith.constant 19 : i32
          %shift_right_logical3A_513 = vector.broadcast %shift_right_logical3A_512 : i32 to vector<16xi32>
          %shift_right_logical3A_514 = arith.shrui %xor3A_511, %shift_right_logical3A_513 : vector<16xi32>
          tpu.vector_store_idx %arg5[%shift_right_logical3A_514], %broadcast_in_dim3A_1 {add = true} : memref<8192xi32, #tpu.memory_space<vmem>>[vector<16xi32>], vector<16xi32>,
          tpu.vector_store_idx %arg6[%shift_right_logical3A_514], %get3A_503 {add = true} : memref<8192xf32, #tpu.memory_space<vmem>>[vector<16xi32>], vector<16xf32>,
          %max3A_515 = arith.maximumf %max3A_495, %get3A_503 : vector<16xf32>
          %max3A_516 = arith.maxsi %max3A_496, %shift_right_logical3A_514 : vector<16xi32>
          %get3A_517 = arith.constant 0 : i32
          %get3A_518 = arith.constant 0 : i32
          %get3A_519 = tpu.memref_slice %arg4[%scan3A_293, %get3A_517, %get3A_518] : memref<2x96x384xf32, #tpu.memory_space<vmem>> -> memref<1x96x384xf32, #tpu.memory_space<vmem>>
          %get3A_520 = tpu.memref_squeeze %get3A_519 : memref<1x96x384xf32, #tpu.memory_space<vmem>> -> memref<96x384xf32, #tpu.memory_space<vmem>>
          %get3A_521 = arith.index_cast %scan3A_300 : i32 to index
          %get3A_522 = arith.constant 176 : index
          %get3A_523 = tpu.vector_load %get3A_520[%get3A_521, %get3A_522] {strides = array<i32>} : memref<96x384xf32, #tpu.memory_space<vmem>>, vector<16xf32>,
          %bitcast3A_524 = vector.bitcast %get3A_523 : vector<16xf32> to vector<16xi32>
          %shift_right_arithmetic3A_525 = arith.constant 31 : i32
          %shift_right_arithmetic3A_526 = vector.broadcast %shift_right_arithmetic3A_525 : i32 to vector<16xi32>
          %shift_right_arithmetic3A_527 = arith.shrsi %bitcast3A_524, %shift_right_arithmetic3A_526 : vector<16xi32>
          %or3A_528 = arith.constant -2147483648 : i32
          %or3A_529 = vector.broadcast %or3A_528 : i32 to vector<16xi32>
          %or3A_530 = arith.ori %shift_right_arithmetic3A_527, %or3A_529 : vector<16xi32>
          %xor3A_531 = arith.xori %bitcast3A_524, %or3A_530 : vector<16xi32>
          %shift_right_logical3A_532 = arith.constant 19 : i32
          %shift_right_logical3A_533 = vector.broadcast %shift_right_logical3A_532 : i32 to vector<16xi32>
          %shift_right_logical3A_534 = arith.shrui %xor3A_531, %shift_right_logical3A_533 : vector<16xi32>
          tpu.vector_store_idx %arg5[%shift_right_logical3A_534], %broadcast_in_dim3A_1 {add = true} : memref<8192xi32, #tpu.memory_space<vmem>>[vector<16xi32>], vector<16xi32>,
          tpu.vector_store_idx %arg6[%shift_right_logical3A_534], %get3A_523 {add = true} : memref<8192xf32, #tpu.memory_space<vmem>>[vector<16xi32>], vector<16xf32>,
          %max3A_535 = arith.maximumf %max3A_515, %get3A_523 : vector<16xf32>
          %max3A_536 = arith.maxsi %max3A_516, %shift_right_logical3A_534 : vector<16xi32>
          %get3A_537 = arith.constant 0 : i32
          %get3A_538 = arith.constant 0 : i32
          %get3A_539 = tpu.memref_slice %arg4[%scan3A_293, %get3A_537, %get3A_538] : memref<2x96x384xf32, #tpu.memory_space<vmem>> -> memref<1x96x384xf32, #tpu.memory_space<vmem>>
          %get3A_540 = tpu.memref_squeeze %get3A_539 : memref<1x96x384xf32, #tpu.memory_space<vmem>> -> memref<96x384xf32, #tpu.memory_space<vmem>>
          %get3A_541 = arith.index_cast %scan3A_300 : i32 to index
          %get3A_542 = arith.constant 192 : index
          %get3A_543 = tpu.vector_load %get3A_540[%get3A_541, %get3A_542] {strides = array<i32>} : memref<96x384xf32, #tpu.memory_space<vmem>>, vector<16xf32>,
          %bitcast3A_544 = vector.bitcast %get3A_543 : vector<16xf32> to vector<16xi32>
          %shift_right_arithmetic3A_545 = arith.constant 31 : i32
          %shift_right_arithmetic3A_546 = vector.broadcast %shift_right_arithmetic3A_545 : i32 to vector<16xi32>
          %shift_right_arithmetic3A_547 = arith.shrsi %bitcast3A_544, %shift_right_arithmetic3A_546 : vector<16xi32>
          %or3A_548 = arith.constant -2147483648 : i32
          %or3A_549 = vector.broadcast %or3A_548 : i32 to vector<16xi32>
          %or3A_550 = arith.ori %shift_right_arithmetic3A_547, %or3A_549 : vector<16xi32>
          %xor3A_551 = arith.xori %bitcast3A_544, %or3A_550 : vector<16xi32>
          %shift_right_logical3A_552 = arith.constant 19 : i32
          %shift_right_logical3A_553 = vector.broadcast %shift_right_logical3A_552 : i32 to vector<16xi32>
          %shift_right_logical3A_554 = arith.shrui %xor3A_551, %shift_right_logical3A_553 : vector<16xi32>
          tpu.vector_store_idx %arg5[%shift_right_logical3A_554], %broadcast_in_dim3A_1 {add = true} : memref<8192xi32, #tpu.memory_space<vmem>>[vector<16xi32>], vector<16xi32>,
          tpu.vector_store_idx %arg6[%shift_right_logical3A_554], %get3A_543 {add = true} : memref<8192xf32, #tpu.memory_space<vmem>>[vector<16xi32>], vector<16xf32>,
          %max3A_555 = arith.maximumf %max3A_535, %get3A_543 : vector<16xf32>
          %max3A_556 = arith.maxsi %max3A_536, %shift_right_logical3A_554 : vector<16xi32>
          %get3A_557 = arith.constant 0 : i32
          %get3A_558 = arith.constant 0 : i32
          %get3A_559 = tpu.memref_slice %arg4[%scan3A_293, %get3A_557, %get3A_558] : memref<2x96x384xf32, #tpu.memory_space<vmem>> -> memref<1x96x384xf32, #tpu.memory_space<vmem>>
          %get3A_560 = tpu.memref_squeeze %get3A_559 : memref<1x96x384xf32, #tpu.memory_space<vmem>> -> memref<96x384xf32, #tpu.memory_space<vmem>>
          %get3A_561 = arith.index_cast %scan3A_300 : i32 to index
          %get3A_562 = arith.constant 208 : index
          %get3A_563 = tpu.vector_load %get3A_560[%get3A_561, %get3A_562] {strides = array<i32>} : memref<96x384xf32, #tpu.memory_space<vmem>>, vector<16xf32>,
          %bitcast3A_564 = vector.bitcast %get3A_563 : vector<16xf32> to vector<16xi32>
          %shift_right_arithmetic3A_565 = arith.constant 31 : i32
          %shift_right_arithmetic3A_566 = vector.broadcast %shift_right_arithmetic3A_565 : i32 to vector<16xi32>
          %shift_right_arithmetic3A_567 = arith.shrsi %bitcast3A_564, %shift_right_arithmetic3A_566 : vector<16xi32>
          %or3A_568 = arith.constant -2147483648 : i32
          %or3A_569 = vector.broadcast %or3A_568 : i32 to vector<16xi32>
          %or3A_570 = arith.ori %shift_right_arithmetic3A_567, %or3A_569 : vector<16xi32>
          %xor3A_571 = arith.xori %bitcast3A_564, %or3A_570 : vector<16xi32>
          %shift_right_logical3A_572 = arith.constant 19 : i32
          %shift_right_logical3A_573 = vector.broadcast %shift_right_logical3A_572 : i32 to vector<16xi32>
          %shift_right_logical3A_574 = arith.shrui %xor3A_571, %shift_right_logical3A_573 : vector<16xi32>
          tpu.vector_store_idx %arg5[%shift_right_logical3A_574], %broadcast_in_dim3A_1 {add = true} : memref<8192xi32, #tpu.memory_space<vmem>>[vector<16xi32>], vector<16xi32>,
          tpu.vector_store_idx %arg6[%shift_right_logical3A_574], %get3A_563 {add = true} : memref<8192xf32, #tpu.memory_space<vmem>>[vector<16xi32>], vector<16xf32>,
          %max3A_575 = arith.maximumf %max3A_555, %get3A_563 : vector<16xf32>
          %max3A_576 = arith.maxsi %max3A_556, %shift_right_logical3A_574 : vector<16xi32>
          %get3A_577 = arith.constant 0 : i32
          %get3A_578 = arith.constant 0 : i32
          %get3A_579 = tpu.memref_slice %arg4[%scan3A_293, %get3A_577, %get3A_578] : memref<2x96x384xf32, #tpu.memory_space<vmem>> -> memref<1x96x384xf32, #tpu.memory_space<vmem>>
          %get3A_580 = tpu.memref_squeeze %get3A_579 : memref<1x96x384xf32, #tpu.memory_space<vmem>> -> memref<96x384xf32, #tpu.memory_space<vmem>>
          %get3A_581 = arith.index_cast %scan3A_300 : i32 to index
          %get3A_582 = arith.constant 224 : index
          %get3A_583 = tpu.vector_load %get3A_580[%get3A_581, %get3A_582] {strides = array<i32>} : memref<96x384xf32, #tpu.memory_space<vmem>>, vector<16xf32>,
          %bitcast3A_584 = vector.bitcast %get3A_583 : vector<16xf32> to vector<16xi32>
          %shift_right_arithmetic3A_585 = arith.constant 31 : i32
          %shift_right_arithmetic3A_586 = vector.broadcast %shift_right_arithmetic3A_585 : i32 to vector<16xi32>
          %shift_right_arithmetic3A_587 = arith.shrsi %bitcast3A_584, %shift_right_arithmetic3A_586 : vector<16xi32>
          %or3A_588 = arith.constant -2147483648 : i32
          %or3A_589 = vector.broadcast %or3A_588 : i32 to vector<16xi32>
          %or3A_590 = arith.ori %shift_right_arithmetic3A_587, %or3A_589 : vector<16xi32>
          %xor3A_591 = arith.xori %bitcast3A_584, %or3A_590 : vector<16xi32>
          %shift_right_logical3A_592 = arith.constant 19 : i32
          %shift_right_logical3A_593 = vector.broadcast %shift_right_logical3A_592 : i32 to vector<16xi32>
          %shift_right_logical3A_594 = arith.shrui %xor3A_591, %shift_right_logical3A_593 : vector<16xi32>
          tpu.vector_store_idx %arg5[%shift_right_logical3A_594], %broadcast_in_dim3A_1 {add = true} : memref<8192xi32, #tpu.memory_space<vmem>>[vector<16xi32>], vector<16xi32>,
          tpu.vector_store_idx %arg6[%shift_right_logical3A_594], %get3A_583 {add = true} : memref<8192xf32, #tpu.memory_space<vmem>>[vector<16xi32>], vector<16xf32>,
          %max3A_595 = arith.maximumf %max3A_575, %get3A_583 : vector<16xf32>
          %max3A_596 = arith.maxsi %max3A_576, %shift_right_logical3A_594 : vector<16xi32>
          %get3A_597 = arith.constant 0 : i32
          %get3A_598 = arith.constant 0 : i32
          %get3A_599 = tpu.memref_slice %arg4[%scan3A_293, %get3A_597, %get3A_598] : memref<2x96x384xf32, #tpu.memory_space<vmem>> -> memref<1x96x384xf32, #tpu.memory_space<vmem>>
          %get3A_600 = tpu.memref_squeeze %get3A_599 : memref<1x96x384xf32, #tpu.memory_space<vmem>> -> memref<96x384xf32, #tpu.memory_space<vmem>>
          %get3A_601 = arith.index_cast %scan3A_300 : i32 to index
          %get3A_602 = arith.constant 240 : index
          %get3A_603 = tpu.vector_load %get3A_600[%get3A_601, %get3A_602] {strides = array<i32>} : memref<96x384xf32, #tpu.memory_space<vmem>>, vector<16xf32>,
          %bitcast3A_604 = vector.bitcast %get3A_603 : vector<16xf32> to vector<16xi32>
          %shift_right_arithmetic3A_605 = arith.constant 31 : i32
          %shift_right_arithmetic3A_606 = vector.broadcast %shift_right_arithmetic3A_605 : i32 to vector<16xi32>
          %shift_right_arithmetic3A_607 = arith.shrsi %bitcast3A_604, %shift_right_arithmetic3A_606 : vector<16xi32>
          %or3A_608 = arith.constant -2147483648 : i32
          %or3A_609 = vector.broadcast %or3A_608 : i32 to vector<16xi32>
          %or3A_610 = arith.ori %shift_right_arithmetic3A_607, %or3A_609 : vector<16xi32>
          %xor3A_611 = arith.xori %bitcast3A_604, %or3A_610 : vector<16xi32>
          %shift_right_logical3A_612 = arith.constant 19 : i32
          %shift_right_logical3A_613 = vector.broadcast %shift_right_logical3A_612 : i32 to vector<16xi32>
          %shift_right_logical3A_614 = arith.shrui %xor3A_611, %shift_right_logical3A_613 : vector<16xi32>
          tpu.vector_store_idx %arg5[%shift_right_logical3A_614], %broadcast_in_dim3A_1 {add = true} : memref<8192xi32, #tpu.memory_space<vmem>>[vector<16xi32>], vector<16xi32>,
          tpu.vector_store_idx %arg6[%shift_right_logical3A_614], %get3A_603 {add = true} : memref<8192xf32, #tpu.memory_space<vmem>>[vector<16xi32>], vector<16xf32>,
          %max3A_615 = arith.maximumf %max3A_595, %get3A_603 : vector<16xf32>
          %max3A_616 = arith.maxsi %max3A_596, %shift_right_logical3A_614 : vector<16xi32>
          %get3A_617 = arith.constant 0 : i32
          %get3A_618 = arith.constant 0 : i32
          %get3A_619 = tpu.memref_slice %arg4[%scan3A_293, %get3A_617, %get3A_618] : memref<2x96x384xf32, #tpu.memory_space<vmem>> -> memref<1x96x384xf32, #tpu.memory_space<vmem>>
          %get3A_620 = tpu.memref_squeeze %get3A_619 : memref<1x96x384xf32, #tpu.memory_space<vmem>> -> memref<96x384xf32, #tpu.memory_space<vmem>>
          %get3A_621 = arith.index_cast %scan3A_300 : i32 to index
          %get3A_622 = arith.constant 256 : index
          %get3A_623 = tpu.vector_load %get3A_620[%get3A_621, %get3A_622] {strides = array<i32>} : memref<96x384xf32, #tpu.memory_space<vmem>>, vector<16xf32>,
          %bitcast3A_624 = vector.bitcast %get3A_623 : vector<16xf32> to vector<16xi32>
          %shift_right_arithmetic3A_625 = arith.constant 31 : i32
          %shift_right_arithmetic3A_626 = vector.broadcast %shift_right_arithmetic3A_625 : i32 to vector<16xi32>
          %shift_right_arithmetic3A_627 = arith.shrsi %bitcast3A_624, %shift_right_arithmetic3A_626 : vector<16xi32>
          %or3A_628 = arith.constant -2147483648 : i32
          %or3A_629 = vector.broadcast %or3A_628 : i32 to vector<16xi32>
          %or3A_630 = arith.ori %shift_right_arithmetic3A_627, %or3A_629 : vector<16xi32>
          %xor3A_631 = arith.xori %bitcast3A_624, %or3A_630 : vector<16xi32>
          %shift_right_logical3A_632 = arith.constant 19 : i32
          %shift_right_logical3A_633 = vector.broadcast %shift_right_logical3A_632 : i32 to vector<16xi32>
          %shift_right_logical3A_634 = arith.shrui %xor3A_631, %shift_right_logical3A_633 : vector<16xi32>
          tpu.vector_store_idx %arg5[%shift_right_logical3A_634], %broadcast_in_dim3A_1 {add = true} : memref<8192xi32, #tpu.memory_space<vmem>>[vector<16xi32>], vector<16xi32>,
          tpu.vector_store_idx %arg6[%shift_right_logical3A_634], %get3A_623 {add = true} : memref<8192xf32, #tpu.memory_space<vmem>>[vector<16xi32>], vector<16xf32>,
          %max3A_635 = arith.maximumf %max3A_615, %get3A_623 : vector<16xf32>
          %max3A_636 = arith.maxsi %max3A_616, %shift_right_logical3A_634 : vector<16xi32>
          %get3A_637 = arith.constant 0 : i32
          %get3A_638 = arith.constant 0 : i32
          %get3A_639 = tpu.memref_slice %arg4[%scan3A_293, %get3A_637, %get3A_638] : memref<2x96x384xf32, #tpu.memory_space<vmem>> -> memref<1x96x384xf32, #tpu.memory_space<vmem>>
          %get3A_640 = tpu.memref_squeeze %get3A_639 : memref<1x96x384xf32, #tpu.memory_space<vmem>> -> memref<96x384xf32, #tpu.memory_space<vmem>>
          %get3A_641 = arith.index_cast %scan3A_300 : i32 to index
          %get3A_642 = arith.constant 272 : index
          %get3A_643 = tpu.vector_load %get3A_640[%get3A_641, %get3A_642] {strides = array<i32>} : memref<96x384xf32, #tpu.memory_space<vmem>>, vector<16xf32>,
          %bitcast3A_644 = vector.bitcast %get3A_643 : vector<16xf32> to vector<16xi32>
          %shift_right_arithmetic3A_645 = arith.constant 31 : i32
          %shift_right_arithmetic3A_646 = vector.broadcast %shift_right_arithmetic3A_645 : i32 to vector<16xi32>
          %shift_right_arithmetic3A_647 = arith.shrsi %bitcast3A_644, %shift_right_arithmetic3A_646 : vector<16xi32>
          %or3A_648 = arith.constant -2147483648 : i32
          %or3A_649 = vector.broadcast %or3A_648 : i32 to vector<16xi32>
          %or3A_650 = arith.ori %shift_right_arithmetic3A_647, %or3A_649 : vector<16xi32>
          %xor3A_651 = arith.xori %bitcast3A_644, %or3A_650 : vector<16xi32>
          %shift_right_logical3A_652 = arith.constant 19 : i32
          %shift_right_logical3A_653 = vector.broadcast %shift_right_logical3A_652 : i32 to vector<16xi32>
          %shift_right_logical3A_654 = arith.shrui %xor3A_651, %shift_right_logical3A_653 : vector<16xi32>
          tpu.vector_store_idx %arg5[%shift_right_logical3A_654], %broadcast_in_dim3A_1 {add = true} : memref<8192xi32, #tpu.memory_space<vmem>>[vector<16xi32>], vector<16xi32>,
          tpu.vector_store_idx %arg6[%shift_right_logical3A_654], %get3A_643 {add = true} : memref<8192xf32, #tpu.memory_space<vmem>>[vector<16xi32>], vector<16xf32>,
          %max3A_655 = arith.maximumf %max3A_635, %get3A_643 : vector<16xf32>
          %max3A_656 = arith.maxsi %max3A_636, %shift_right_logical3A_654 : vector<16xi32>
          %get3A_657 = arith.constant 0 : i32
          %get3A_658 = arith.constant 0 : i32
          %get3A_659 = tpu.memref_slice %arg4[%scan3A_293, %get3A_657, %get3A_658] : memref<2x96x384xf32, #tpu.memory_space<vmem>> -> memref<1x96x384xf32, #tpu.memory_space<vmem>>
          %get3A_660 = tpu.memref_squeeze %get3A_659 : memref<1x96x384xf32, #tpu.memory_space<vmem>> -> memref<96x384xf32, #tpu.memory_space<vmem>>
          %get3A_661 = arith.index_cast %scan3A_300 : i32 to index
          %get3A_662 = arith.constant 288 : index
          %get3A_663 = tpu.vector_load %get3A_660[%get3A_661, %get3A_662] {strides = array<i32>} : memref<96x384xf32, #tpu.memory_space<vmem>>, vector<16xf32>,
          %bitcast3A_664 = vector.bitcast %get3A_663 : vector<16xf32> to vector<16xi32>
          %shift_right_arithmetic3A_665 = arith.constant 31 : i32
          %shift_right_arithmetic3A_666 = vector.broadcast %shift_right_arithmetic3A_665 : i32 to vector<16xi32>
          %shift_right_arithmetic3A_667 = arith.shrsi %bitcast3A_664, %shift_right_arithmetic3A_666 : vector<16xi32>
          %or3A_668 = arith.constant -2147483648 : i32
          %or3A_669 = vector.broadcast %or3A_668 : i32 to vector<16xi32>
          %or3A_670 = arith.ori %shift_right_arithmetic3A_667, %or3A_669 : vector<16xi32>
          %xor3A_671 = arith.xori %bitcast3A_664, %or3A_670 : vector<16xi32>
          %shift_right_logical3A_672 = arith.constant 19 : i32
          %shift_right_logical3A_673 = vector.broadcast %shift_right_logical3A_672 : i32 to vector<16xi32>
          %shift_right_logical3A_674 = arith.shrui %xor3A_671, %shift_right_logical3A_673 : vector<16xi32>
          tpu.vector_store_idx %arg5[%shift_right_logical3A_674], %broadcast_in_dim3A_1 {add = true} : memref<8192xi32, #tpu.memory_space<vmem>>[vector<16xi32>], vector<16xi32>,
          tpu.vector_store_idx %arg6[%shift_right_logical3A_674], %get3A_663 {add = true} : memref<8192xf32, #tpu.memory_space<vmem>>[vector<16xi32>], vector<16xf32>,
          %max3A_675 = arith.maximumf %max3A_655, %get3A_663 : vector<16xf32>
          %max3A_676 = arith.maxsi %max3A_656, %shift_right_logical3A_674 : vector<16xi32>
          %get3A_677 = arith.constant 0 : i32
          %get3A_678 = arith.constant 0 : i32
          %get3A_679 = tpu.memref_slice %arg4[%scan3A_293, %get3A_677, %get3A_678] : memref<2x96x384xf32, #tpu.memory_space<vmem>> -> memref<1x96x384xf32, #tpu.memory_space<vmem>>
          %get3A_680 = tpu.memref_squeeze %get3A_679 : memref<1x96x384xf32, #tpu.memory_space<vmem>> -> memref<96x384xf32, #tpu.memory_space<vmem>>
          %get3A_681 = arith.index_cast %scan3A_300 : i32 to index
          %get3A_682 = arith.constant 304 : index
          %get3A_683 = tpu.vector_load %get3A_680[%get3A_681, %get3A_682] {strides = array<i32>} : memref<96x384xf32, #tpu.memory_space<vmem>>, vector<16xf32>,
          %bitcast3A_684 = vector.bitcast %get3A_683 : vector<16xf32> to vector<16xi32>
          %shift_right_arithmetic3A_685 = arith.constant 31 : i32
          %shift_right_arithmetic3A_686 = vector.broadcast %shift_right_arithmetic3A_685 : i32 to vector<16xi32>
          %shift_right_arithmetic3A_687 = arith.shrsi %bitcast3A_684, %shift_right_arithmetic3A_686 : vector<16xi32>
          %or3A_688 = arith.constant -2147483648 : i32
          %or3A_689 = vector.broadcast %or3A_688 : i32 to vector<16xi32>
          %or3A_690 = arith.ori %shift_right_arithmetic3A_687, %or3A_689 : vector<16xi32>
          %xor3A_691 = arith.xori %bitcast3A_684, %or3A_690 : vector<16xi32>
          %shift_right_logical3A_692 = arith.constant 19 : i32
          %shift_right_logical3A_693 = vector.broadcast %shift_right_logical3A_692 : i32 to vector<16xi32>
          %shift_right_logical3A_694 = arith.shrui %xor3A_691, %shift_right_logical3A_693 : vector<16xi32>
          tpu.vector_store_idx %arg5[%shift_right_logical3A_694], %broadcast_in_dim3A_1 {add = true} : memref<8192xi32, #tpu.memory_space<vmem>>[vector<16xi32>], vector<16xi32>,
          tpu.vector_store_idx %arg6[%shift_right_logical3A_694], %get3A_683 {add = true} : memref<8192xf32, #tpu.memory_space<vmem>>[vector<16xi32>], vector<16xf32>,
          %max3A_695 = arith.maximumf %max3A_675, %get3A_683 : vector<16xf32>
          %max3A_696 = arith.maxsi %max3A_676, %shift_right_logical3A_694 : vector<16xi32>
          %get3A_697 = arith.constant 0 : i32
          %get3A_698 = arith.constant 0 : i32
          %get3A_699 = tpu.memref_slice %arg4[%scan3A_293, %get3A_697, %get3A_698] : memref<2x96x384xf32, #tpu.memory_space<vmem>> -> memref<1x96x384xf32, #tpu.memory_space<vmem>>
          %get3A_700 = tpu.memref_squeeze %get3A_699 : memref<1x96x384xf32, #tpu.memory_space<vmem>> -> memref<96x384xf32, #tpu.memory_space<vmem>>
          %get3A_701 = arith.index_cast %scan3A_300 : i32 to index
          %get3A_702 = arith.constant 320 : index
          %get3A_703 = tpu.vector_load %get3A_700[%get3A_701, %get3A_702] {strides = array<i32>} : memref<96x384xf32, #tpu.memory_space<vmem>>, vector<16xf32>,
          %bitcast3A_704 = vector.bitcast %get3A_703 : vector<16xf32> to vector<16xi32>
          %shift_right_arithmetic3A_705 = arith.constant 31 : i32
          %shift_right_arithmetic3A_706 = vector.broadcast %shift_right_arithmetic3A_705 : i32 to vector<16xi32>
          %shift_right_arithmetic3A_707 = arith.shrsi %bitcast3A_704, %shift_right_arithmetic3A_706 : vector<16xi32>
          %or3A_708 = arith.constant -2147483648 : i32
          %or3A_709 = vector.broadcast %or3A_708 : i32 to vector<16xi32>
          %or3A_710 = arith.ori %shift_right_arithmetic3A_707, %or3A_709 : vector<16xi32>
          %xor3A_711 = arith.xori %bitcast3A_704, %or3A_710 : vector<16xi32>
          %shift_right_logical3A_712 = arith.constant 19 : i32
          %shift_right_logical3A_713 = vector.broadcast %shift_right_logical3A_712 : i32 to vector<16xi32>
          %shift_right_logical3A_714 = arith.shrui %xor3A_711, %shift_right_logical3A_713 : vector<16xi32>
          tpu.vector_store_idx %arg5[%shift_right_logical3A_714], %broadcast_in_dim3A_1 {add = true} : memref<8192xi32, #tpu.memory_space<vmem>>[vector<16xi32>], vector<16xi32>,
          tpu.vector_store_idx %arg6[%shift_right_logical3A_714], %get3A_703 {add = true} : memref<8192xf32, #tpu.memory_space<vmem>>[vector<16xi32>], vector<16xf32>,
          %max3A_715 = arith.maximumf %max3A_695, %get3A_703 : vector<16xf32>
          %max3A_716 = arith.maxsi %max3A_696, %shift_right_logical3A_714 : vector<16xi32>
          %get3A_717 = arith.constant 0 : i32
          %get3A_718 = arith.constant 0 : i32
          %get3A_719 = tpu.memref_slice %arg4[%scan3A_293, %get3A_717, %get3A_718] : memref<2x96x384xf32, #tpu.memory_space<vmem>> -> memref<1x96x384xf32, #tpu.memory_space<vmem>>
          %get3A_720 = tpu.memref_squeeze %get3A_719 : memref<1x96x384xf32, #tpu.memory_space<vmem>> -> memref<96x384xf32, #tpu.memory_space<vmem>>
          %get3A_721 = arith.index_cast %scan3A_300 : i32 to index
          %get3A_722 = arith.constant 336 : index
          %get3A_723 = tpu.vector_load %get3A_720[%get3A_721, %get3A_722] {strides = array<i32>} : memref<96x384xf32, #tpu.memory_space<vmem>>, vector<16xf32>,
          %bitcast3A_724 = vector.bitcast %get3A_723 : vector<16xf32> to vector<16xi32>
          %shift_right_arithmetic3A_725 = arith.constant 31 : i32
          %shift_right_arithmetic3A_726 = vector.broadcast %shift_right_arithmetic3A_725 : i32 to vector<16xi32>
          %shift_right_arithmetic3A_727 = arith.shrsi %bitcast3A_724, %shift_right_arithmetic3A_726 : vector<16xi32>
          %or3A_728 = arith.constant -2147483648 : i32
          %or3A_729 = vector.broadcast %or3A_728 : i32 to vector<16xi32>
          %or3A_730 = arith.ori %shift_right_arithmetic3A_727, %or3A_729 : vector<16xi32>
          %xor3A_731 = arith.xori %bitcast3A_724, %or3A_730 : vector<16xi32>
          %shift_right_logical3A_732 = arith.constant 19 : i32
          %shift_right_logical3A_733 = vector.broadcast %shift_right_logical3A_732 : i32 to vector<16xi32>
          %shift_right_logical3A_734 = arith.shrui %xor3A_731, %shift_right_logical3A_733 : vector<16xi32>
          tpu.vector_store_idx %arg5[%shift_right_logical3A_734], %broadcast_in_dim3A_1 {add = true} : memref<8192xi32, #tpu.memory_space<vmem>>[vector<16xi32>], vector<16xi32>,
          tpu.vector_store_idx %arg6[%shift_right_logical3A_734], %get3A_723 {add = true} : memref<8192xf32, #tpu.memory_space<vmem>>[vector<16xi32>], vector<16xf32>,
          %max3A_735 = arith.maximumf %max3A_715, %get3A_723 : vector<16xf32>
          %max3A_736 = arith.maxsi %max3A_716, %shift_right_logical3A_734 : vector<16xi32>
          %get3A_737 = arith.constant 0 : i32
          %get3A_738 = arith.constant 0 : i32
          %get3A_739 = tpu.memref_slice %arg4[%scan3A_293, %get3A_737, %get3A_738] : memref<2x96x384xf32, #tpu.memory_space<vmem>> -> memref<1x96x384xf32, #tpu.memory_space<vmem>>
          %get3A_740 = tpu.memref_squeeze %get3A_739 : memref<1x96x384xf32, #tpu.memory_space<vmem>> -> memref<96x384xf32, #tpu.memory_space<vmem>>
          %get3A_741 = arith.index_cast %scan3A_300 : i32 to index
          %get3A_742 = arith.constant 352 : index
          %get3A_743 = tpu.vector_load %get3A_740[%get3A_741, %get3A_742] {strides = array<i32>} : memref<96x384xf32, #tpu.memory_space<vmem>>, vector<16xf32>,
          %bitcast3A_744 = vector.bitcast %get3A_743 : vector<16xf32> to vector<16xi32>
          %shift_right_arithmetic3A_745 = arith.constant 31 : i32
          %shift_right_arithmetic3A_746 = vector.broadcast %shift_right_arithmetic3A_745 : i32 to vector<16xi32>
          %shift_right_arithmetic3A_747 = arith.shrsi %bitcast3A_744, %shift_right_arithmetic3A_746 : vector<16xi32>
          %or3A_748 = arith.constant -2147483648 : i32
          %or3A_749 = vector.broadcast %or3A_748 : i32 to vector<16xi32>
          %or3A_750 = arith.ori %shift_right_arithmetic3A_747, %or3A_749 : vector<16xi32>
          %xor3A_751 = arith.xori %bitcast3A_744, %or3A_750 : vector<16xi32>
          %shift_right_logical3A_752 = arith.constant 19 : i32
          %shift_right_logical3A_753 = vector.broadcast %shift_right_logical3A_752 : i32 to vector<16xi32>
          %shift_right_logical3A_754 = arith.shrui %xor3A_751, %shift_right_logical3A_753 : vector<16xi32>
          tpu.vector_store_idx %arg5[%shift_right_logical3A_754], %broadcast_in_dim3A_1 {add = true} : memref<8192xi32, #tpu.memory_space<vmem>>[vector<16xi32>], vector<16xi32>,
          tpu.vector_store_idx %arg6[%shift_right_logical3A_754], %get3A_743 {add = true} : memref<8192xf32, #tpu.memory_space<vmem>>[vector<16xi32>], vector<16xf32>,
          %max3A_755 = arith.maximumf %max3A_735, %get3A_743 : vector<16xf32>
          %max3A_756 = arith.maxsi %max3A_736, %shift_right_logical3A_754 : vector<16xi32>
          %get3A_757 = arith.constant 0 : i32
          %get3A_758 = arith.constant 0 : i32
          %get3A_759 = tpu.memref_slice %arg4[%scan3A_293, %get3A_757, %get3A_758] : memref<2x96x384xf32, #tpu.memory_space<vmem>> -> memref<1x96x384xf32, #tpu.memory_space<vmem>>
          %get3A_760 = tpu.memref_squeeze %get3A_759 : memref<1x96x384xf32, #tpu.memory_space<vmem>> -> memref<96x384xf32, #tpu.memory_space<vmem>>
          %get3A_761 = arith.index_cast %scan3A_300 : i32 to index
          %get3A_762 = arith.constant 368 : index
          %get3A_763 = tpu.vector_load %get3A_760[%get3A_761, %get3A_762] {strides = array<i32>} : memref<96x384xf32, #tpu.memory_space<vmem>>, vector<16xf32>,
          %bitcast3A_764 = vector.bitcast %get3A_763 : vector<16xf32> to vector<16xi32>
          %shift_right_arithmetic3A_765 = arith.constant 31 : i32
          %shift_right_arithmetic3A_766 = vector.broadcast %shift_right_arithmetic3A_765 : i32 to vector<16xi32>
          %shift_right_arithmetic3A_767 = arith.shrsi %bitcast3A_764, %shift_right_arithmetic3A_766 : vector<16xi32>
          %or3A_768 = arith.constant -2147483648 : i32
          %or3A_769 = vector.broadcast %or3A_768 : i32 to vector<16xi32>
          %or3A_770 = arith.ori %shift_right_arithmetic3A_767, %or3A_769 : vector<16xi32>
          %xor3A_771 = arith.xori %bitcast3A_764, %or3A_770 : vector<16xi32>
          %shift_right_logical3A_772 = arith.constant 19 : i32
          %shift_right_logical3A_773 = vector.broadcast %shift_right_logical3A_772 : i32 to vector<16xi32>
          %shift_right_logical3A_774 = arith.shrui %xor3A_771, %shift_right_logical3A_773 : vector<16xi32>
          tpu.vector_store_idx %arg5[%shift_right_logical3A_774], %broadcast_in_dim3A_1 {add = true} : memref<8192xi32, #tpu.memory_space<vmem>>[vector<16xi32>], vector<16xi32>,
          tpu.vector_store_idx %arg6[%shift_right_logical3A_774], %get3A_763 {add = true} : memref<8192xf32, #tpu.memory_space<vmem>>[vector<16xi32>], vector<16xf32>,
          %max3A_775 = arith.maximumf %max3A_755, %get3A_763 : vector<16xf32>
          %max3A_776 = arith.maxsi %max3A_756, %shift_right_logical3A_774 : vector<16xi32>
          scf.yield %max3A_775, %max3A_776 : vector<16xf32>, vector<16xi32>
        }
        %scan3A_299 = arith.constant 96 : i32
        scf.yield %scan3A_298#0, %scan3A_298#1 : vector<16xf32>, vector<16xi32>
      }
      %scan3A_41 = arith.constant 2 : i32
      %reduce_max3A = arith.constant true
      %reduce_max3A_42 = vector.broadcast %reduce_max3A : i1 to vector<16xi1>
      %reduce_max3A_43 = tpu.scan <max>, %scan3A_40#0 masked %reduce_max3A_42 : vector<16xf32>, vector<16xi1> -> vector<16xf32>
      %reduce_max3A_44 = vector.extract %reduce_max3A_43[15] : f32 from vector<16xf32>
      %reduce_max3A_45 = arith.constant true
      %reduce_max3A_46 = vector.broadcast %reduce_max3A_45 : i1 to vector<16xi1>
      %reduce_max3A_47 = arith.constant -2147483648 : i32
      %reduce_max3A_48 = vector.broadcast %reduce_max3A_47 : i32 to vector<16xi32>
      %reduce_max3A_49 = arith.xori %scan3A_40#1, %reduce_max3A_48 : vector<16xi32>
      %reduce_max3A_50 = tpu.scan <max>, %reduce_max3A_49 masked %reduce_max3A_46 : vector<16xi32>, vector<16xi1> -> vector<16xi32>
      %reduce_max3A_51 = arith.xori %reduce_max3A_50, %reduce_max3A_48 : vector<16xi32>
      %reduce_max3A_52 = vector.extract %reduce_max3A_51[15] : i32 from vector<16xi32>
      %jit3A = arith.constant 16 : i32
      %div3A = arith.divsi %reduce_max3A_52, %jit3A : i32
      %sign3A = arith.constant 0 : i32
      %sign3A_53 = arith.cmpi sgt, %reduce_max3A_52, %sign3A : i32
      %sign3A_54 = arith.extui %sign3A_53 : i1 to i32
      %sign3A_55 = arith.constant 0 : i32
      %sign3A_56 = arith.cmpi slt, %reduce_max3A_52, %sign3A_55 : i32
      %sign3A_57 = arith.extui %sign3A_56 : i1 to i32
      %sign3A_58 = arith.subi %sign3A_54, %sign3A_57 : i32
      %sign3A_59 = arith.constant 0 : i32
      %sign3A_60 = arith.cmpi sgt, %jit3A, %sign3A_59 : i32
      %sign3A_61 = arith.extui %sign3A_60 : i1 to i32
      %sign3A_62 = arith.constant 0 : i32
      %sign3A_63 = arith.cmpi slt, %jit3A, %sign3A_62 : i32
      %sign3A_64 = arith.extui %sign3A_63 : i1 to i32
      %sign3A_65 = arith.subi %sign3A_61, %sign3A_64 : i32
      %ne3A = arith.cmpi ne, %sign3A_58, %sign3A_65 : i32
      %rem3A = arith.remsi %reduce_max3A_52, %jit3A : i32
      %ne3A_66 = arith.constant 0 : i32
      %ne3A_67 = arith.cmpi ne, %rem3A, %ne3A_66 : i32
      %and3A = arith.andi %ne3A, %ne3A_67 : i1
      %sub3A = arith.constant 1 : i32
      %sub3A_68 = arith.subi %div3A, %sub3A : i32
      %select_n3A = arith.select %and3A, %sub3A_68, %div3A : i32
      %while3A = arith.constant 0 : i32
      %while3A_69 = arith.constant 0.000000e+00 : f32
      %while3A_70 = arith.constant 0 : i32
      %while3A_71 = arith.constant 0.000000e+00 : f32
      %while3A_72:5 = scf.while (%while3A_222 = %select_n3A, %while3A_223 = %while3A, %while3A_224 = %while3A_69, %while3A_225 = %while3A_70, %while3A_226 = %while3A_71) : (i32, i32, f32, i32, f32) -> (i32, i32, f32, i32, f32) {
        %lt3A = arith.cmpi slt, %while3A_223, %scan3A : i32
        scf.condition(%lt3A) %while3A_222, %while3A_223, %while3A_224, %while3A_225, %while3A_226 : i32, i32, f32, i32, f32
      } do {
      ^bb0(%while3A_222: i32, %while3A_223: i32, %while3A_224: f32, %while3A_225: i32, %while3A_226: f32):
        %mul3A_227 = arith.constant 16 : i32
        %mul3A_228 = arith.muli %while3A_222, %mul3A_227 : i32
        %get3A_229 = arith.index_cast %mul3A_228 : i32 to index
        %get3A_230 = tpu.vector_load %arg5[%get3A_229] {strides = array<i32>} : memref<8192xi32, #tpu.memory_space<vmem>>, vector<16xi32>,
        %mul3A_231 = arith.constant 16 : i32
        %mul3A_232 = arith.muli %while3A_222, %mul3A_231 : i32
        %get3A_233 = arith.index_cast %mul3A_232 : i32 to index
        %get3A_234 = tpu.vector_load %arg6[%get3A_233] {strides = array<i32>} : memref<8192xf32, #tpu.memory_space<vmem>>, vector<16xf32>,
        %sub3A_235 = arith.constant 1 : i32
        %sub3A_236 = arith.subi %while3A_222, %sub3A_235 : i32
        %reduce_sum3A_237 = arith.constant true
        %reduce_sum3A_238 = vector.broadcast %reduce_sum3A_237 : i1 to vector<16xi1>
        %reduce_sum3A_239 = tpu.scan <sum>, %get3A_230 masked %reduce_sum3A_238 : vector<16xi32>, vector<16xi1> -> vector<16xi32>
        %reduce_sum3A_240 = vector.extract %reduce_sum3A_239[15] : i32 from vector<16xi32>
        %add3A_241 = arith.addi %while3A_223, %reduce_sum3A_240 : i32
        %reduce_sum3A_242 = arith.constant true
        %reduce_sum3A_243 = vector.broadcast %reduce_sum3A_242 : i1 to vector<16xi1>
        %reduce_sum3A_244 = tpu.scan <sum>, %get3A_234 masked %reduce_sum3A_243 : vector<16xf32>, vector<16xi1> -> vector<16xf32>
        %reduce_sum3A_245 = vector.extract %reduce_sum3A_244[15] : f32 from vector<16xf32>
        %add3A_246 = arith.addf %while3A_224, %reduce_sum3A_245 : f32
        scf.yield %sub3A_236, %add3A_241, %add3A_246, %while3A_223, %while3A_224 : i32, i32, f32, i32, f32
      }
      %add3A_73 = arith.constant 1 : i32
      %add3A_74 = arith.addi %while3A_72#0, %add3A_73 : i32
      %mul3A_75 = arith.constant 16 : i32
      %mul3A_76 = arith.muli %add3A_74, %mul3A_75 : i32
      %get3A = arith.index_cast %mul3A_76 : i32 to index
      %get3A_77 = tpu.vector_load %arg5[%get3A] {strides = array<i32>} : memref<8192xi32, #tpu.memory_space<vmem>>, vector<16xi32>,
      %mul3A_78 = arith.constant 16 : i32
      %mul3A_79 = arith.muli %add3A_74, %mul3A_78 : i32
      %get3A_80 = arith.index_cast %mul3A_79 : i32 to index
      %get3A_81 = tpu.vector_load %arg6[%get3A_80] {strides = array<i32>} : memref<8192xf32, #tpu.memory_space<vmem>>, vector<16xf32>,
      %rev3A = arith.constant 15 : i32
      %rev3A_82 = vector.broadcast %rev3A : i32 to vector<16xi32>
      %rev3A_83 = tpu.iota {dimensions = array<i32: 0>} : vector<16xi32>
      %rev3A_84 = arith.subi %rev3A_82, %rev3A_83 : vector<16xi32>
      %rev3A_85 = tpu.dynamic_gather %get3A_77[%rev3A_84] in [0] : vector<16xi32>, vector<16xi32> -> vector<16xi32>
      %rev3A_86 = arith.constant 15 : i32
      %rev3A_87 = vector.broadcast %rev3A_86 : i32 to vector<16xi32>
      %rev3A_88 = tpu.iota {dimensions = array<i32: 0>} : vector<16xi32>
      %rev3A_89 = arith.subi %rev3A_87, %rev3A_88 : vector<16xi32>
      %rev3A_90 = tpu.dynamic_gather %get3A_81[%rev3A_89] in [0] : vector<16xf32>, vector<16xi32> -> vector<16xf32>
      %cumsum3A = arith.constant true
      %cumsum3A_91 = vector.broadcast %cumsum3A : i1 to vector<16xi1>
      %cumsum3A_92 = tpu.scan <sum>, %rev3A_85 masked %cumsum3A_91 : vector<16xi32>, vector<16xi1> -> vector<16xi32>
      %cumsum3A_93 = arith.constant true
      %cumsum3A_94 = vector.broadcast %cumsum3A_93 : i1 to vector<16xi1>
      %cumsum3A_95 = tpu.scan <sum>, %rev3A_90 masked %cumsum3A_94 : vector<16xf32>, vector<16xi1> -> vector<16xf32>
      %add3A_96 = vector.broadcast %while3A_72#3 : i32 to vector<16xi32>
      %add3A_97 = arith.addi %add3A_96, %cumsum3A_92 : vector<16xi32>
      %ge3A = vector.broadcast %scan3A : i32 to vector<16xi32>
      %ge3A_98 = arith.cmpi sge, %add3A_97, %ge3A : vector<16xi32>
      %all_reduce_population_count3A = tpu.all_reduce %ge3A_98 {dim = 0 : i64, kind = #tpu.reduction_kind<sum>} : vector<16xi1> -> vector<16xi32>
      %sub3A_99 = arith.constant 16 : i32
      %sub3A_100 = vector.broadcast %sub3A_99 : i32 to vector<16xi32>
      %sub3A_101 = arith.subi %sub3A_100, %all_reduce_population_count3A : vector<16xi32>
      %iota3A = tpu.iota {dimensions = array<i32: 0>} : vector<16xi32>
      %eq3A = arith.cmpi eq, %iota3A, %sub3A_101 : vector<16xi32>
      %jit3A_102 = arith.constant 0 : i32
      %broadcast_in_dim3A_103 = vector.broadcast %jit3A_102 : i32 to vector<16xi32>
      %select_n3A_104 = arith.select %eq3A, %rev3A_85, %broadcast_in_dim3A_103 : vector<16xi1>, vector<16xi32>
      %reduce_sum3A = arith.constant true
      %reduce_sum3A_105 = vector.broadcast %reduce_sum3A : i1 to vector<16xi1>
      %reduce_sum3A_106 = tpu.scan <sum>, %select_n3A_104 masked %reduce_sum3A_105 : vector<16xi32>, vector<16xi1> -> vector<16xi32>
      %reduce_sum3A_107 = vector.extract %reduce_sum3A_106[15] : i32 from vector<16xi32>
      %jit3A_108 = arith.constant 0.000000e+00 : f32
      %broadcast_in_dim3A_109 = vector.broadcast %jit3A_108 : f32 to vector<16xf32>
      %select_n3A_110 = arith.select %eq3A, %rev3A_90, %broadcast_in_dim3A_109 : vector<16xi1>, vector<16xf32>
      %reduce_sum3A_111 = arith.constant true
      %reduce_sum3A_112 = vector.broadcast %reduce_sum3A_111 : i1 to vector<16xi1>
      %reduce_sum3A_113 = tpu.scan <sum>, %select_n3A_110 masked %reduce_sum3A_112 : vector<16xf32>, vector<16xi1> -> vector<16xf32>
      %reduce_sum3A_114 = vector.extract %reduce_sum3A_113[15] : f32 from vector<16xf32>
      %jit3A_115 = arith.constant 0 : i32
      %broadcast_in_dim3A_116 = vector.broadcast %jit3A_115 : i32 to vector<16xi32>
      %select_n3A_117 = arith.select %eq3A, %cumsum3A_92, %broadcast_in_dim3A_116 : vector<16xi1>, vector<16xi32>
      %reduce_sum3A_118 = arith.constant true
      %reduce_sum3A_119 = vector.broadcast %reduce_sum3A_118 : i1 to vector<16xi1>
      %reduce_sum3A_120 = tpu.scan <sum>, %select_n3A_117 masked %reduce_sum3A_119 : vector<16xi32>, vector<16xi1> -> vector<16xi32>
      %reduce_sum3A_121 = vector.extract %reduce_sum3A_120[15] : i32 from vector<16xi32>
      %add3A_122 = arith.addi %while3A_72#3, %reduce_sum3A_121 : i32
      %sub3A_123 = arith.subi %add3A_122, %reduce_sum3A_107 : i32
      %jit3A_124 = arith.constant 0.000000e+00 : f32
      %broadcast_in_dim3A_125 = vector.broadcast %jit3A_124 : f32 to vector<16xf32>
      %select_n3A_126 = arith.select %eq3A, %cumsum3A_95, %broadcast_in_dim3A_125 : vector<16xi1>, vector<16xf32>
      %reduce_sum3A_127 = arith.constant true
      %reduce_sum3A_128 = vector.broadcast %reduce_sum3A_127 : i1 to vector<16xi1>
      %reduce_sum3A_129 = tpu.scan <sum>, %select_n3A_126 masked %reduce_sum3A_128 : vector<16xf32>, vector<16xi1> -> vector<16xf32>
      %reduce_sum3A_130 = vector.extract %reduce_sum3A_129[15] : f32 from vector<16xf32>
      %add3A_131 = arith.addf %while3A_72#4, %reduce_sum3A_130 : f32
      %sub3A_132 = arith.subf %add3A_131, %reduce_sum3A_114 : f32
      %sub3A_133 = arith.subi %scan3A, %sub3A_123 : i32
      %convert_element_type3A = arith.sitofp %sub3A_133 : i32 to f32
      %broadcast_in_dim3A_134 = vector.broadcast %reduce_sum3A_114 : f32 to vector<16xf32>
      %convert_element_type3A_135 = arith.sitofp %reduce_sum3A_107 : i32 to f32
      %broadcast_in_dim3A_136 = vector.broadcast %convert_element_type3A_135 : f32 to vector<16xf32>
      %div3A_137 = arith.divf %broadcast_in_dim3A_134, %broadcast_in_dim3A_136 : vector<16xf32>
      %broadcast_in_dim3A_138 = vector.broadcast %sub3A_132 : f32 to vector<16xf32>
      %broadcast_in_dim3A_139 = vector.broadcast %convert_element_type3A : f32 to vector<16xf32>
      %mul3A_140 = arith.mulf %broadcast_in_dim3A_139, %div3A_137 : vector<16xf32>
      %add3A_141 = arith.addf %broadcast_in_dim3A_138, %mul3A_140 : vector<16xf32>
      %mul3A_142 = arith.constant 3.390980e-04 : f32
      %mul3A_143 = vector.broadcast %mul3A_142 : f32 to vector<16xf32>
      %mul3A_144 = arith.mulf %add3A_141, %mul3A_143 : vector<16xf32>
      %iota3A_145 = tpu.iota {dimensions = array<i32: 0>} : vector<16xi32>
      %broadcast_in_dim3A_146 = vector.broadcast %reduce_max3A_44 : f32 to vector<16xf32>
      %convert_element_type3A_147 = arith.sitofp %select_n3A : i32 to f32
      %broadcast_in_dim3A_148 = vector.broadcast %convert_element_type3A_147 : f32 to vector<16xf32>
      %add3A_149 = arith.constant 1 : i32
      %add3A_150 = arith.addi %while3A_72#0, %add3A_149 : i32
      %convert_element_type3A_151 = arith.sitofp %add3A_150 : i32 to f32
      %broadcast_in_dim3A_152 = vector.broadcast %convert_element_type3A_151 : f32 to vector<16xf32>
      %convert_element_type3A_153 = arith.sitofp %while3A_72#3 : i32 to f32
      %broadcast_in_dim3A_154 = vector.broadcast %convert_element_type3A_153 : f32 to vector<16xf32>
      %broadcast_in_dim3A_155 = vector.broadcast %while3A_72#4 : f32 to vector<16xf32>
      %convert_element_type3A_156 = arith.sitofp %while3A_72#1 : i32 to f32
      %broadcast_in_dim3A_157 = vector.broadcast %convert_element_type3A_156 : f32 to vector<16xf32>
      %broadcast_in_dim3A_158 = vector.broadcast %while3A_72#2 : f32 to vector<16xf32>
      %convert_element_type3A_159 = arith.sitofp %reduce_sum3A_107 : i32 to f32
      %broadcast_in_dim3A_160 = vector.broadcast %convert_element_type3A_159 : f32 to vector<16xf32>
      %broadcast_in_dim3A_161 = vector.broadcast %reduce_sum3A_114 : f32 to vector<16xf32>
      %convert_element_type3A_162 = arith.sitofp %sub3A_123 : i32 to f32
      %broadcast_in_dim3A_163 = vector.broadcast %convert_element_type3A_162 : f32 to vector<16xf32>
      %broadcast_in_dim3A_164 = vector.broadcast %sub3A_132 : f32 to vector<16xf32>
      %broadcast_in_dim3A_165 = vector.broadcast %convert_element_type3A : f32 to vector<16xf32>
      %broadcast_in_dim3A_166 = arith.constant 0.000000e+00 : f32
      %broadcast_in_dim3A_167 = vector.broadcast %broadcast_in_dim3A_166 : f32 to vector<16xf32>
      %eq3A_168 = arith.constant 0 : i32
      %eq3A_169 = vector.broadcast %eq3A_168 : i32 to vector<16xi32>
      %eq3A_170 = arith.cmpi eq, %iota3A_145, %eq3A_169 : vector<16xi32>
      %select_n3A_171 = arith.select %eq3A_170, %mul3A_144, %broadcast_in_dim3A_167 : vector<16xi1>, vector<16xf32>
      %eq3A_172 = arith.constant 1 : i32
      %eq3A_173 = vector.broadcast %eq3A_172 : i32 to vector<16xi32>
      %eq3A_174 = arith.cmpi eq, %iota3A_145, %eq3A_173 : vector<16xi32>
      %select_n3A_175 = arith.select %eq3A_174, %broadcast_in_dim3A_146, %select_n3A_171 : vector<16xi1>, vector<16xf32>
      %eq3A_176 = arith.constant 2 : i32
      %eq3A_177 = vector.broadcast %eq3A_176 : i32 to vector<16xi32>
      %eq3A_178 = arith.cmpi eq, %iota3A_145, %eq3A_177 : vector<16xi32>
      %select_n3A_179 = arith.select %eq3A_178, %broadcast_in_dim3A_148, %select_n3A_175 : vector<16xi1>, vector<16xf32>
      %eq3A_180 = arith.constant 3 : i32
      %eq3A_181 = vector.broadcast %eq3A_180 : i32 to vector<16xi32>
      %eq3A_182 = arith.cmpi eq, %iota3A_145, %eq3A_181 : vector<16xi32>
      %select_n3A_183 = arith.select %eq3A_182, %broadcast_in_dim3A_152, %select_n3A_179 : vector<16xi1>, vector<16xf32>
      %eq3A_184 = arith.constant 4 : i32
      %eq3A_185 = vector.broadcast %eq3A_184 : i32 to vector<16xi32>
      %eq3A_186 = arith.cmpi eq, %iota3A_145, %eq3A_185 : vector<16xi32>
      %select_n3A_187 = arith.select %eq3A_186, %broadcast_in_dim3A_154, %select_n3A_183 : vector<16xi1>, vector<16xf32>
      %eq3A_188 = arith.constant 5 : i32
      %eq3A_189 = vector.broadcast %eq3A_188 : i32 to vector<16xi32>
      %eq3A_190 = arith.cmpi eq, %iota3A_145, %eq3A_189 : vector<16xi32>
      %select_n3A_191 = arith.select %eq3A_190, %broadcast_in_dim3A_155, %select_n3A_187 : vector<16xi1>, vector<16xf32>
      %eq3A_192 = arith.constant 6 : i32
      %eq3A_193 = vector.broadcast %eq3A_192 : i32 to vector<16xi32>
      %eq3A_194 = arith.cmpi eq, %iota3A_145, %eq3A_193 : vector<16xi32>
      %select_n3A_195 = arith.select %eq3A_194, %broadcast_in_dim3A_157, %select_n3A_191 : vector<16xi1>, vector<16xf32>
      %eq3A_196 = arith.constant 7 : i32
      %eq3A_197 = vector.broadcast %eq3A_196 : i32 to vector<16xi32>
      %eq3A_198 = arith.cmpi eq, %iota3A_145, %eq3A_197 : vector<16xi32>
      %select_n3A_199 = arith.select %eq3A_198, %broadcast_in_dim3A_158, %select_n3A_195 : vector<16xi1>, vector<16xf32>
      %eq3A_200 = arith.constant 8 : i32
      %eq3A_201 = vector.broadcast %eq3A_200 : i32 to vector<16xi32>
      %eq3A_202 = arith.cmpi eq, %iota3A_145, %eq3A_201 : vector<16xi32>
      %select_n3A_203 = arith.select %eq3A_202, %broadcast_in_dim3A_160, %select_n3A_199 : vector<16xi1>, vector<16xf32>
      %eq3A_204 = arith.constant 9 : i32
      %eq3A_205 = vector.broadcast %eq3A_204 : i32 to vector<16xi32>
      %eq3A_206 = arith.cmpi eq, %iota3A_145, %eq3A_205 : vector<16xi32>
      %select_n3A_207 = arith.select %eq3A_206, %broadcast_in_dim3A_161, %select_n3A_203 : vector<16xi1>, vector<16xf32>
      %eq3A_208 = arith.constant 10 : i32
      %eq3A_209 = vector.broadcast %eq3A_208 : i32 to vector<16xi32>
      %eq3A_210 = arith.cmpi eq, %iota3A_145, %eq3A_209 : vector<16xi32>
      %select_n3A_211 = arith.select %eq3A_210, %broadcast_in_dim3A_163, %select_n3A_207 : vector<16xi1>, vector<16xf32>
      %eq3A_212 = arith.constant 11 : i32
      %eq3A_213 = vector.broadcast %eq3A_212 : i32 to vector<16xi32>
      %eq3A_214 = arith.cmpi eq, %iota3A_145, %eq3A_213 : vector<16xi32>
      %select_n3A_215 = arith.select %eq3A_214, %broadcast_in_dim3A_164, %select_n3A_211 : vector<16xi1>, vector<16xf32>
      %eq3A_216 = arith.constant 12 : i32
      %eq3A_217 = vector.broadcast %eq3A_216 : i32 to vector<16xi32>
      %eq3A_218 = arith.cmpi eq, %iota3A_145, %eq3A_217 : vector<16xi32>
      %select_n3A_219 = arith.select %eq3A_218, %broadcast_in_dim3A_165, %select_n3A_215 : vector<16xi1>, vector<16xf32>
      %swap3A = arith.constant 0 : index
      %swap3A_220 = tpu.vector_load %arg7[%swap3A] {strides = array<i32>} : memref<16xf32, #tpu.memory_space<vmem>>, vector<16xf32>,
      tpu.vector_store %arg7[%swap3A], %select_n3A_219 {strides = array<i32>} : memref<16xf32, #tpu.memory_space<vmem>>, vector<16xf32>,
      "tpu.region"() ({
        %run_scoped3A = tpu.sem_alloc : memref<!tpu.dma_semaphore, #tpu.memory_space<semaphore_mem>>
        %dma_start3A_222 = arith.constant 0 : i32
        %dma_start3A_223 = tpu.memref_slice %arg3[%add3A_13, %dma_start3A_222] : memref<160x16xf32, #tpu.memory_space<hbm>> -> memref<1x16xf32, #tpu.memory_space<hbm>>
        %dma_start3A_224 = tpu.memref_squeeze %dma_start3A_223 : memref<1x16xf32, #tpu.memory_space<hbm>> -> memref<16xf32, #tpu.memory_space<hbm>>
        %dma_start3A_225 = arith.constant 0 : i32
        %dma_start3A_226 = tpu.memref_slice %arg3[%add3A_13, %dma_start3A_225] : memref<160x16xf32, #tpu.memory_space<hbm>> -> memref<1x16xf32, #tpu.memory_space<hbm>>
        %dma_start3A_227 = tpu.memref_squeeze %dma_start3A_226 : memref<1x16xf32, #tpu.memory_space<hbm>> -> memref<16xf32, #tpu.memory_space<hbm>>
        tpu.enqueue_dma source(%arg7 : memref<16xf32, #tpu.memory_space<vmem>>) target(%dma_start3A_227 : memref<16xf32, #tpu.memory_space<hbm>>) target_semaphore(%run_scoped3A : memref<!tpu.dma_semaphore, #tpu.memory_space<semaphore_mem>>)
        %dma_wait3A = arith.constant 0 : i32
        %dma_wait3A_228 = tpu.memref_slice %arg3[%add3A_13, %dma_wait3A] : memref<160x16xf32, #tpu.memory_space<hbm>> -> memref<1x16xf32, #tpu.memory_space<hbm>>
        %dma_wait3A_229 = tpu.memref_squeeze %dma_wait3A_228 : memref<1x16xf32, #tpu.memory_space<hbm>> -> memref<16xf32, #tpu.memory_space<hbm>>
        %dma_wait3A_230 = arith.constant 0 : i32
        %dma_wait3A_231 = tpu.memref_slice %arg3[%add3A_13, %dma_wait3A_230] : memref<160x16xf32, #tpu.memory_space<hbm>> -> memref<1x16xf32, #tpu.memory_space<hbm>>
        %dma_wait3A_232 = tpu.memref_squeeze %dma_wait3A_231 : memref<1x16xf32, #tpu.memory_space<hbm>> -> memref<16xf32, #tpu.memory_space<hbm>>
        tpu.wait_dma2 semaphore(%run_scoped3A : memref<!tpu.dma_semaphore, #tpu.memory_space<semaphore_mem>>) src(%arg7 : memref<16xf32, #tpu.memory_space<vmem>>) dst(%dma_wait3A_232 : memref<16xf32, #tpu.memory_space<hbm>>)
        tpu.yield
      }) : () -> ()
      %scan3A_221 = arith.constant 0 : i32
      scf.yield %scan3A_221 : i32
    }
    %scan3A_8 = arith.constant 5 : i32
    return
  }
}

module attributes {stable_mosaic.version = 14 : i64} {
  func.func @_tc_stats_kernel(%arg0: i32, %arg1: memref<8x384x384xf32, #tpu.memory_space<vmem>>, %arg2: memref<8x2xf32, #tpu.memory_space<vmem>>) attributes {dimension_semantics = [#tpu.dimension_semantics<arbitrary>], iteration_bounds = array<i64: 76>, scalar_prefetch = 0 : i64, scratch_operands = 0 : i64, tpu.core_type = #tpu.core_type<tc>, window_params = [{transform_indices = @transform_0, window_bounds = array<i64: 8, 384, 384>}, {transform_indices = @transform_1, window_bounds = array<i64: 8, 2>}]} {
    %get3A = arith.constant 0 : index
    %get3A_0 = arith.constant 0 : index
    %get3A_1 = arith.constant 0 : index
    %get3A_2 = vector.load %arg1[%get3A, %get3A_0, %get3A_1] : memref<8x384x384xf32, #tpu.memory_space<vmem>>, vector<8x384x384xf32>
    %reduce_max3A = arith.constant dense<0xFF800000> : vector<8xf32>
    %reduce_max3A_3 = vector.multi_reduction <maximumf>, %get3A_2, %reduce_max3A [1, 2] : vector<8x384x384xf32> to vector<8xf32>
    %broadcast_in_dim3A = vector.shape_cast %reduce_max3A_3 : vector<8xf32> to vector<8x1x1xf32>
    %reduce_min3A = arith.constant dense<0x7F800000> : vector<8xf32>
    %reduce_min3A_4 = vector.multi_reduction <minimumf>, %get3A_2, %reduce_min3A [1, 2] : vector<8x384x384xf32> to vector<8xf32>
    %broadcast_in_dim3A_5 = vector.shape_cast %reduce_min3A_4 : vector<8xf32> to vector<8x1x1xf32>
    %sub3A = arith.constant 1.000000e+00 : f32
    %sub3A_6 = vector.broadcast %sub3A : f32 to vector<8x1x1xf32>
    %sub3A_7 = arith.subf %broadcast_in_dim3A_5, %sub3A_6 : vector<8x1x1xf32>
    %scan3A = arith.constant 2.949000e+03 : f32
    %scan3A_8 = arith.constant 0 : i32
    %scan3A_9 = arith.constant 10 : i32
    %scan3A_10 = arith.addi %scan3A_8, %scan3A_9 : i32
    %scan3A_11 = arith.constant 1 : i32
    %scan3A_12:2 = scf.for %scan3A_32 = %scan3A_8 to %scan3A_10 step %scan3A_11 iter_args(%scan3A_33 = %sub3A_7, %scan3A_34 = %broadcast_in_dim3A) -> (vector<8x1x1xf32>, vector<8x1x1xf32>)  : i32 {
      %add3A_35 = arith.addf %scan3A_33, %scan3A_34 : vector<8x1x1xf32>
      %mul3A_36 = arith.constant 5.000000e-01 : f32
      %mul3A_37 = vector.broadcast %mul3A_36 : f32 to vector<8x1x1xf32>
      %mul3A_38 = arith.mulf %mul3A_37, %add3A_35 : vector<8x1x1xf32>
      %gt3A_39 = vector.broadcast %mul3A_38 : vector<8x1x1xf32> to vector<8x384x384xf32>
      %gt3A_40 = arith.cmpf ogt, %get3A_2, %gt3A_39 : vector<8x384x384xf32>
      %convert_element_type3A_41 = arith.extui %gt3A_40 : vector<8x384x384xi1> to vector<8x384x384xi32>
      %convert_element_type3A_42 = arith.sitofp %convert_element_type3A_41 : vector<8x384x384xi32> to vector<8x384x384xf32>
      %reduce_sum3A_43 = arith.constant dense<0.000000e+00> : vector<8xf32>
      %reduce_sum3A_44 = vector.multi_reduction <add>, %convert_element_type3A_42, %reduce_sum3A_43 [1, 2] : vector<8x384x384xf32> to vector<8xf32>
      %broadcast_in_dim3A_45 = vector.shape_cast %reduce_sum3A_44 : vector<8xf32> to vector<8x1x1xf32>
      %ge3A = vector.broadcast %scan3A : f32 to vector<8x1x1xf32>
      %ge3A_46 = arith.cmpf oge, %broadcast_in_dim3A_45, %ge3A : vector<8x1x1xf32>
      %select_n3A_47 = arith.select %ge3A_46, %mul3A_38, %scan3A_33 : vector<8x1x1xi1>, vector<8x1x1xf32>
      %select_n3A_48 = arith.select %ge3A_46, %scan3A_34, %mul3A_38 : vector<8x1x1xi1>, vector<8x1x1xf32>
      scf.yield %select_n3A_47, %select_n3A_48 : vector<8x1x1xf32>, vector<8x1x1xf32>
    }
    %gt3A = vector.broadcast %scan3A_12#1 : vector<8x1x1xf32> to vector<8x384x384xf32>
    %gt3A_13 = arith.cmpf ogt, %get3A_2, %gt3A : vector<8x384x384xf32>
    %convert_element_type3A = arith.extui %gt3A_13 : vector<8x384x384xi1> to vector<8x384x384xi32>
    %convert_element_type3A_14 = arith.sitofp %convert_element_type3A : vector<8x384x384xi32> to vector<8x384x384xf32>
    %reduce_sum3A = arith.constant dense<0.000000e+00> : vector<8xf32>
    %reduce_sum3A_15 = vector.multi_reduction <add>, %convert_element_type3A_14, %reduce_sum3A [1, 2] : vector<8x384x384xf32> to vector<8xf32>
    %broadcast_in_dim3A_16 = vector.shape_cast %reduce_sum3A_15 : vector<8xf32> to vector<8x1x1xf32>
    %jit3A = arith.constant 0.000000e+00 : f32
    %broadcast_in_dim3A_17 = vector.broadcast %jit3A : f32 to vector<8x384x384xf32>
    %select_n3A = arith.select %gt3A_13, %get3A_2, %broadcast_in_dim3A_17 : vector<8x384x384xi1>, vector<8x384x384xf32>
    %reduce_sum3A_18 = arith.constant dense<0.000000e+00> : vector<8xf32>
    %reduce_sum3A_19 = vector.multi_reduction <add>, %select_n3A, %reduce_sum3A_18 [1, 2] : vector<8x384x384xf32> to vector<8xf32>
    %broadcast_in_dim3A_20 = vector.shape_cast %reduce_sum3A_19 : vector<8xf32> to vector<8x1x1xf32>
    %sub3A_21 = arith.constant 2.949000e+03 : f32
    %sub3A_22 = vector.broadcast %sub3A_21 : f32 to vector<8x1x1xf32>
    %sub3A_23 = arith.subf %sub3A_22, %broadcast_in_dim3A_16 : vector<8x1x1xf32>
    %mul3A = arith.constant 5.000000e-01 : f32
    %mul3A_24 = vector.broadcast %mul3A : f32 to vector<8x1x1xf32>
    %mul3A_25 = arith.mulf %sub3A_23, %mul3A_24 : vector<8x1x1xf32>
    %add3A = arith.addf %scan3A_12#0, %scan3A_12#1 : vector<8x1x1xf32>
    %mul3A_26 = arith.mulf %mul3A_25, %add3A : vector<8x1x1xf32>
    %add3A_27 = arith.addf %broadcast_in_dim3A_20, %mul3A_26 : vector<8x1x1xf32>
    %div3A = arith.constant 2.949000e+03 : f32
    %div3A_28 = vector.broadcast %div3A : f32 to vector<8x1x1xf32>
    %div3A_29 = arith.divf %add3A_27, %div3A_28 : vector<8x1x1xf32>
    %concatenate3A = tpu.concatenate %div3A_29, %broadcast_in_dim3A in 2 : vector<8x1x1xf32>, vector<8x1x1xf32> -> vector<8x1x2xf32>
    %squeeze3A = vector.shape_cast %concatenate3A : vector<8x1x2xf32> to vector<8x2xf32>
    %swap3A = arith.constant 0 : index
    %swap3A_30 = arith.constant 0 : index
    %swap3A_31 = vector.load %arg2[%swap3A, %swap3A_30] : memref<8x2xf32, #tpu.memory_space<vmem>>, vector<8x2xf32>
    tpu.vector_store %arg2[%swap3A, %swap3A_30], %squeeze3A {strides = array<i32>} : memref<8x2xf32, #tpu.memory_space<vmem>>, vector<8x2xf32>,
    return
  }
  func.func @transform_0(%arg0: i32) -> (i32, i32, i32) {
    %add3A = arith.constant 20 : i32
    %add3A_0 = arith.addi %arg0, %add3A : i32
    %c0_i32 = arith.constant 0 : i32
    %c0_i32_1 = arith.constant 0 : i32
    %c0_i32_2 = arith.constant 0 : i32
    return %add3A_0, %c0_i32, %c0_i32_1 : i32, i32, i32
  }
  func.func @transform_1(%arg0: i32) -> (i32, i32) {
    %c0_i32 = arith.constant 0 : i32
    %c0_i32_0 = arith.constant 0 : i32
    return %arg0, %c0_i32 : i32, i32
  }
}

module attributes {stable_mosaic.version = 14 : i64} {
  func.func @_mlp_kernel(%arg0: memref<4x192xf32, #tpu.memory_space<vmem>>, %arg1: memref<4x192xf32, #tpu.memory_space<vmem>>, %arg2: memref<12x192xf32, #tpu.memory_space<vmem>>, %arg3: memref<1x12xf32, #tpu.memory_space<vmem>>, %arg4: memref<192x12xf32, #tpu.memory_space<vmem>>, %arg5: memref<1x192xf32, #tpu.memory_space<vmem>>, %arg6: memref<4x192xf32, #tpu.memory_space<vmem>>) attributes {dimension_semantics = [], scalar_prefetch = 0 : i64, scratch_operands = 0 : i64, tpu.core_type = #tpu.core_type<tc>} {
    %get3A = arith.constant 0 : index
    %get3A_0 = arith.constant 0 : index
    %get3A_1 = vector.load %arg2[%get3A, %get3A_0] : memref<12x192xf32, #tpu.memory_space<vmem>>, vector<12x192xf32>
    %get3A_2 = arith.constant 0 : index
    %get3A_3 = arith.constant 0 : index
    %get3A_4 = vector.load %arg3[%get3A_2, %get3A_3] : memref<1x12xf32, #tpu.memory_space<vmem>>, vector<1x12xf32>
    %get3A_5 = arith.constant 0 : index
    %get3A_6 = arith.constant 0 : index
    %get3A_7 = vector.load %arg4[%get3A_5, %get3A_6] : memref<192x12xf32, #tpu.memory_space<vmem>>, vector<192x12xf32>
    %get3A_8 = arith.constant 0 : index
    %get3A_9 = arith.constant 0 : index
    %get3A_10 = vector.load %arg5[%get3A_8, %get3A_9] : memref<1x192xf32, #tpu.memory_space<vmem>>, vector<1x192xf32>
    %get3A_11 = arith.constant 0 : index
    %get3A_12 = arith.constant 0 : index
    %get3A_13 = vector.load %arg0[%get3A_11, %get3A_12] : memref<4x192xf32, #tpu.memory_space<vmem>>, vector<4x192xf32>
    %transpose3A = tpu.transpose %get3A_1, [1, 0] : vector<12x192xf32> -> vector<192x12xf32>
    %dot_general3A = arith.constant dense<0.000000e+00> : vector<4x12xf32>
    %dot_general3A_14 = tpu.matmul %get3A_13, %transpose3A, %dot_general3A {dimension_numbers = #tpu.dot_dimension_numbers<[1], [0], [0], [1], [0, 0, 1, 1], [], []>, transpose_lhs_hint = false} : vector<4x192xf32>, vector<192x12xf32>, vector<4x12xf32> -> vector<4x12xf32>
    %add3A = vector.broadcast %get3A_4 : vector<1x12xf32> to vector<4x12xf32>
    %add3A_15 = arith.addf %dot_general3A_14, %add3A : vector<4x12xf32>
    %max3A = arith.constant 0.000000e+00 : f32
    %max3A_16 = vector.broadcast %max3A : f32 to vector<4x12xf32>
    %max3A_17 = arith.maximumf %add3A_15, %max3A_16 : vector<4x12xf32>
    %transpose3A_18 = tpu.transpose %get3A_7, [1, 0] : vector<192x12xf32> -> vector<12x192xf32>
    %dot_general3A_19 = arith.constant dense<0.000000e+00> : vector<4x192xf32>
    %dot_general3A_20 = tpu.matmul %max3A_17, %transpose3A_18, %dot_general3A_19 {dimension_numbers = #tpu.dot_dimension_numbers<[1], [0], [0], [1], [0, 0, 1, 1], [], []>, transpose_lhs_hint = false} : vector<4x12xf32>, vector<12x192xf32>, vector<4x192xf32> -> vector<4x192xf32>
    %add3A_21 = vector.broadcast %get3A_10 : vector<1x192xf32> to vector<4x192xf32>
    %add3A_22 = arith.addf %dot_general3A_20, %add3A_21 : vector<4x192xf32>
    %get3A_23 = arith.constant 0 : index
    %get3A_24 = arith.constant 0 : index
    %get3A_25 = vector.load %arg1[%get3A_23, %get3A_24] : memref<4x192xf32, #tpu.memory_space<vmem>>, vector<4x192xf32>
    %transpose3A_26 = tpu.transpose %get3A_1, [1, 0] : vector<12x192xf32> -> vector<192x12xf32>
    %dot_general3A_27 = arith.constant dense<0.000000e+00> : vector<4x12xf32>
    %dot_general3A_28 = tpu.matmul %get3A_25, %transpose3A_26, %dot_general3A_27 {dimension_numbers = #tpu.dot_dimension_numbers<[1], [0], [0], [1], [0, 0, 1, 1], [], []>, transpose_lhs_hint = false} : vector<4x192xf32>, vector<192x12xf32>, vector<4x12xf32> -> vector<4x12xf32>
    %add3A_29 = vector.broadcast %get3A_4 : vector<1x12xf32> to vector<4x12xf32>
    %add3A_30 = arith.addf %dot_general3A_28, %add3A_29 : vector<4x12xf32>
    %max3A_31 = arith.constant 0.000000e+00 : f32
    %max3A_32 = vector.broadcast %max3A_31 : f32 to vector<4x12xf32>
    %max3A_33 = arith.maximumf %add3A_30, %max3A_32 : vector<4x12xf32>
    %transpose3A_34 = tpu.transpose %get3A_7, [1, 0] : vector<192x12xf32> -> vector<12x192xf32>
    %dot_general3A_35 = arith.constant dense<0.000000e+00> : vector<4x192xf32>
    %dot_general3A_36 = tpu.matmul %max3A_33, %transpose3A_34, %dot_general3A_35 {dimension_numbers = #tpu.dot_dimension_numbers<[1], [0], [0], [1], [0, 0, 1, 1], [], []>, transpose_lhs_hint = false} : vector<4x12xf32>, vector<12x192xf32>, vector<4x192xf32> -> vector<4x192xf32>
    %add3A_37 = vector.broadcast %get3A_10 : vector<1x192xf32> to vector<4x192xf32>
    %add3A_38 = arith.addf %dot_general3A_36, %add3A_37 : vector<4x192xf32>
    %add3A_39 = arith.addf %add3A_22, %add3A_38 : vector<4x192xf32>
    %logistic3A = arith.negf %add3A_39 : vector<4x192xf32>
    %logistic3A_40 = math.exp %logistic3A : vector<4x192xf32>
    %logistic3A_41 = arith.constant 1.000000e+00 : f32
    %logistic3A_42 = vector.broadcast %logistic3A_41 : f32 to vector<4x192xf32>
    %logistic3A_43 = arith.addf %logistic3A_42, %logistic3A_40 : vector<4x192xf32>
    %logistic3A_44 = arith.divf %logistic3A_42, %logistic3A_43 : vector<4x192xf32>
    %swap3A = arith.constant 0 : index
    %swap3A_45 = arith.constant 0 : index
    %swap3A_46 = vector.load %arg6[%swap3A, %swap3A_45] : memref<4x192xf32, #tpu.memory_space<vmem>>, vector<4x192xf32>
    tpu.vector_store %arg6[%swap3A, %swap3A_45], %logistic3A_44 {strides = array<i32>} : memref<4x192xf32, #tpu.memory_space<vmem>>, vector<4x192xf32>,
    return
  }
}

module attributes {stable_mosaic.version = 14 : i64} {
  func.func @_scale_kernel(%arg0: i32, %arg1: i32, %arg2: memref<8x96x384xf32, #tpu.memory_space<vmem>>, %arg3: memref<8x1x1xf32, #tpu.memory_space<vmem>>, %arg4: memref<8x96x384xf32, #tpu.memory_space<vmem>>) attributes {dimension_semantics = [#tpu.dimension_semantics<arbitrary>, #tpu.dimension_semantics<arbitrary>], iteration_bounds = array<i64: 96, 4>, scalar_prefetch = 0 : i64, scratch_operands = 0 : i64, tpu.core_type = #tpu.core_type<tc>, window_params = [{transform_indices = @transform_0, window_bounds = array<i64: 8, 96, 384>}, {transform_indices = @transform_1, window_bounds = array<i64: 8, 1, 1>}, {transform_indices = @transform_2, window_bounds = array<i64: 8, 96, 384>}]} {
    %get3A = arith.constant 0 : index
    %get3A_0 = arith.constant 0 : index
    %get3A_1 = arith.constant 0 : index
    %get3A_2 = vector.load %arg2[%get3A, %get3A_0, %get3A_1] : memref<8x96x384xf32, #tpu.memory_space<vmem>>, vector<8x96x384xf32>
    %get3A_3 = arith.constant 0 : index
    %get3A_4 = arith.constant 0 : index
    %get3A_5 = arith.constant 0 : index
    %get3A_6 = vector.load %arg3[%get3A_3, %get3A_4, %get3A_5] : memref<8x1x1xf32, #tpu.memory_space<vmem>>, vector<8x1x1xf32>
    %mul3A = vector.broadcast %get3A_6 : vector<8x1x1xf32> to vector<8x96x384xf32>
    %mul3A_7 = arith.mulf %get3A_2, %mul3A : vector<8x96x384xf32>
    %swap3A = arith.constant 0 : index
    %swap3A_8 = arith.constant 0 : index
    %swap3A_9 = arith.constant 0 : index
    %swap3A_10 = vector.load %arg4[%swap3A, %swap3A_8, %swap3A_9] : memref<8x96x384xf32, #tpu.memory_space<vmem>>, vector<8x96x384xf32>
    tpu.vector_store %arg4[%swap3A, %swap3A_8, %swap3A_9], %mul3A_7 {strides = array<i32>} : memref<8x96x384xf32, #tpu.memory_space<vmem>>, vector<8x96x384xf32>,
    return
  }
  func.func @transform_0(%arg0: i32, %arg1: i32) -> (i32, i32, i32) {
    %c0_i32 = arith.constant 0 : i32
    %c0_i32_0 = arith.constant 0 : i32
    return %arg0, %arg1, %c0_i32 : i32, i32, i32
  }
  func.func @transform_1(%arg0: i32, %arg1: i32) -> (i32, i32, i32) {
    %c0_i32 = arith.constant 0 : i32
    %c0_i32_0 = arith.constant 0 : i32
    %c0_i32_1 = arith.constant 0 : i32
    return %arg0, %c0_i32, %c0_i32_0 : i32, i32, i32
  }
  func.func @transform_2(%arg0: i32, %arg1: i32) -> (i32, i32, i32) {
    %c0_i32 = arith.constant 0 : i32
    %c0_i32_0 = arith.constant 0 : i32
    return %arg0, %arg1, %c0_i32 : i32, i32, i32
  }
}

</mosaic_0001>

<sc_bundles>
// kernel: kernel.6.cloned.1.call-start
scs
__scs_entry_jumppad:
0x0: {  	(pc) =	sbr.rel $0x88, $3  }
0x1: {  	(tag) =	ssettag $0x0;
	lr =	simm.s32 $0x1  }
0x2: {  	[smem:$0x3F9C] =	sst lr;
	_ =	strace $0xD0000000  }
0x3: {  	_ = 	snop  }
0x4: {  	_ = 	snop  }
0x5: {  	_ = 	snop  }
0x6: {  	_ = 	snop  }
0x7: {  	_ = 	snop  }
__scs_overlays_trampoline_lowered:
0x8: {  	[smem:$0x3FAB] =	sst s0  }
0x9: {  	[smem:$0x3FAC] =	sst s1  }
0xa: {  	[smem:$0x3FAD] =	sst s2  }
0xb: {  	[smem:$0x3FAE] =	sst s3  }
0xc: {  	[smem:$0x3FAF] =	sst s4  }
0xd: {  	[smem:$0x3FB0] =	sst s5  }
0xe: {  	[smem:$0x3FB1] =	sst s6  }
0xf: {  	[smem:$0x3FB2] =	sst s7  }
0x10: {  	[smem:$0x3FB3] =	sst s8  }
0x11: {  	[smem:$0x3FB4] =	sst s9;
	s0 =	simm.s32 @!p0 $0x0  }
0x12: {  	s1 =	sld [smem:$0x3F9A];
	s0 =	simm.s32 @p0 $0x1  }
0x13: {  	[smem:$0x3FB5] =	sst s0;
	s0 =	simm.s32 @!p1 $0x0  }
0x14: {  	s2 =	sld [smem:$0x3F99];
	s0 =	simm.s32 @p1 $0x1  }
0x15: {  	[smem:$0x3FB6] =	sst s0;
	s0 =	simm.s32 @!p2 $0x0  }
0x16: {  	s3 =	sld [smem:$0x3FDB];
	s0 =	simm.s32 @p2 $0x1  }
0x17: {  	s4 =	simm.s32 $0x1BF5;
	[smem:$0x3FB8] =	sst s0  }
0x18: {  	s0 =	sld [smem:$0x3F9B];
	_ =	swait.ge [sflag:s4], $0x0  }
0x19: {  	s7 =	sld [smem:$0x3F9C]  }
0x1a: {  	s8 =	sadd.s32 $0xFFFFE003, lr  }
0x1b: {  	s9 =	sadd.s32 $0xFFFFFEF7, lr;
	s5 =	simm.s32 $0xFFFFFFFF;
	p2 =	slt.u32 s8, $0xFFFFF086  }
0x1c: {  	p1 =	slt.u32 s9, $0xF7A;
	s5 =	simm.s32 @!p2 $0x0  }
0x1d: {  	s5 =	simm.s32 @p1 $0x1;
	p0 =	seq.s32 s7, s2  }
0x1e: {  	s7 =	smul.u32 @!p0 $0xF7A, s2;
	p2 =	seq.s32 @!p0 s5, $0x0  }
0x1f: {  	s9 =	smul.u32 $0xF7A, s1;
	s8 =	simm.s32 @!p0 $0x1BF5;
	p2 =	por !p2, p0  }
0x20: {  	[sflag:s8] =	ssyncset.s32 @!p0 $0xFFFFF086;
	s6 =	sadd.s32 @!p0 s3, s7;
	s7 =	simm.s32 @!p0 $0x108  }
0x21: {  	s3 =	sadd.s32 s3, s9;
	s6 =	sadd.s32 @!p0 $0x88, s6;
	s7 =	simm.s32 @p2 $0x1082  }
0x22: {  	[simem:s7], [sflag:s8] =	dma.local @!p0 [hbm:s6], $0xF7A  }
0x23: {  	s9 =	sor.u32 $0xD0000000, s2;
	s6 =	simm.s32 $0x108;
	_ =	swait.ge @!p0 [sflag:s8], $0x0  }
0x24: {  	s3 =	sadd.s32 $0x88, s3;
	s6 =	simm.s32 @!p1 $0x1082;
	[sflag:s4] =	ssyncset.s32 $0xFFFFF086  }
0x25: {  	[simem:s6], [sflag:s4] =	dma.local [hbm:s3], $0xF7A  }
0x26: {  	[smem:$0x3F9C] =	sst s1;
	(tag) =	ssettag s2;
	_ =	strace s9  }
0x27: {  	s1 =	sld [smem:$0x3FAC]  }
0x28: {  	s2 =	sld [smem:$0x3FAD]  }
0x29: {  	s4 =	sld [smem:$0x3FAF]  }
0x2a: {  	p0 =	seq.s32 s5, $0x0;
	s5 =	sld [smem:$0x3FB0]  }
0x2b: {  	s6 =	sld [smem:$0x3FB1]  }
0x2c: {  	s7 =	sld [smem:$0x3FB2]  }
0x2d: {  	s3 =	simm.s32 $0x108;
	s8 =	sld [smem:$0x3FB3]  }
0x2e: {  	s3 =	simm.s32 @!p0 $0x1082;
	s9 =	sld [smem:$0x3FB4]  }
0x2f: {  	lr =	sadd.s32 s0, s3;
	s0 =	sld [smem:$0x3FAB]  }
0x30: {  	s3 =	sld [smem:$0x3FAE]  }
0x31: {  	[smem:$0x3FB7] =	sst s10  }
0x32: {  	s10 =	sld [smem:$0x3FB5];
	_ =	sdelay $0x3  }
0x33: {  	p0 =	seq.s32 s10, $0x1;
	s10 =	sld [smem:$0x3FB7];
	_ =	sdelay $0x3  }
0x34: {  	[smem:$0x3FB7] =	sst s10  }
0x35: {  	s10 =	sld [smem:$0x3FB6];
	_ =	sdelay $0x3  }
0x36: {  	p1 =	seq.s32 s10, $0x1;
	s10 =	sld [smem:$0x3FB7];
	_ =	sdelay $0x3  }
0x37: {  	[smem:$0x3FB7] =	sst s10  }
0x38: {  	s10 =	sld [smem:$0x3FB8]  }
0x39: {  	_ = 	snop;
	(pc) =	sbr.ind lr, $3  }
0x3a: {  	_ = 	snop  }
0x3b: {  	_ = 	snop  }
0x3c: {  	p2 =	seq.s32 s10, $0x1;
	s10 =	sld [smem:$0x3FB7]  }
0x3d: {  	_ =	shalt  }
0x3e: {  	_ =	shalt  }
0x3f: {  	_ =	shalt  }
0x40: {  	_ =	shalt  }
0x41: {  	_ =	shalt  }
0x42: {  	_ =	shalt  }
0x43: {  	_ =	shalt  }
0x44: {  	_ =	shalt  }
0x45: {  	_ =	shalt  }
0x46: {  	_ =	shalt  }
0x47: {  	_ =	shalt  }
0x48: {  	_ =	shalt  }
0x49: {  	_ =	shalt  }
0x4a: {  	_ =	shalt  }
0x4b: {  	_ =	shalt  }
0x4c: {  	_ =	shalt  }
0x4d: {  	_ =	shalt  }
0x4e: {  	_ =	shalt  }
0x4f: {  	_ =	shalt  }
0x50: {  	_ =	shalt  }
0x51: {  	_ =	shalt  }
0x52: {  	_ =	shalt  }
0x53: {  	_ =	shalt  }
0x54: {  	_ =	shalt  }
0x55: {  	_ =	shalt  }
0x56: {  	_ =	shalt  }
0x57: {  	_ =	shalt  }
0x58: {  	_ =	shalt  }
0x59: {  	_ =	shalt  }
0x5a: {  	_ =	shalt  }
0x5b: {  	_ =	shalt  }
0x5c: {  	_ =	shalt  }
0x5d: {  	_ =	shalt  }
0x5e: {  	_ =	shalt  }
0x5f: {  	_ =	shalt  }
0x60: {  	_ =	shalt  }
0x61: {  	_ =	shalt  }
0x62: {  	_ =	shalt  }
0x63: {  	_ =	shalt  }
0x64: {  	_ =	shalt  }
0x65: {  	_ =	shalt  }
0x66: {  	_ =	shalt  }
0x67: {  	_ =	shalt  }
0x68: {  	_ =	shalt  }
0x69: {  	_ =	shalt  }
0x6a: {  	_ =	shalt  }
0x6b: {  	_ =	shalt  }
0x6c: {  	_ =	shalt  }
0x6d: {  	_ =	shalt  }
0x6e: {  	_ =	shalt  }
0x6f: {  	_ =	shalt  }
0x70: {  	_ =	shalt  }
0x71: {  	_ =	shalt  }
0x72: {  	_ =	shalt  }
0x73: {  	_ =	shalt  }
0x74: {  	_ =	shalt  }
0x75: {  	_ =	shalt  }
0x76: {  	_ =	shalt  }
0x77: {  	_ =	shalt  }
0x78: {  	_ =	shalt  }
0x79: {  	_ =	shalt  }
0x7a: {  	_ =	shalt  }
0x7b: {  	_ =	shalt  }
0x7c: {  	_ =	shalt  }
0x7d: {  	_ =	shalt  }
0x7e: {  	_ =	shalt  }
0x7f: {  	_ =	shalt  }
0x80: {  	_ =	shalt  }
0x81: {  	_ =	shalt  }
0x82: {  	_ =	shalt  }
0x83: {  	_ =	shalt  }
0x84: {  	_ =	shalt  }
0x85: {  	_ =	shalt  }
0x86: {  	_ =	shalt  }
0x87: {  	_ =	shalt  }
.Lfunc_end0:
.L_simem_size_0:
called_computation_lowered:
.L_overlay_start_0:
0x88: {  	s2 =	sld [smem:$0x3FD9]  }
0x89: {  	s3 =	sld [smem:$0x3FFE];
	_ =	sdelay $0x1  }
0x8a: {  	s1 =	srdreg.scid  }
0x8b: {  	s0 =	sand.u32 $0x1, s1  }
0x8c: {  	s18 =	sshll.u32 s0, $0xA;
	s2 =	sadd.s32 s3, s2  }
0x8d: {  	s2 =	sadd.s32 s2, s18  }
0x8e: {  	[smem:$0x3FC3] =	sst s2  }
0x8f: {  	_ = 	snop  }
0x90: {  	s2 =	sld [smem:$0x3FC9]  }
0x91: {  	s19 =	sld [smem:$0x3FD0];
	(tm) =	ssettm $0x1  }
0x92: {  	s4 =	sld [smem:$0x3FFB];
	_ =	sdelay $0x3  }
0x93: {  	_ =	strace s4  }
0x94: {  	s4 =	sld [smem:$0x3FFC];
	_ =	sdelay $0x3  }
0x95: {  	_ =	strace s4  }
0x96: {  	s4 =	sld [smem:$0x3FFD];
	_ =	sdelay $0x3  }
0x97: {  	_ =	strace s4  }
0x98: {  	_ =	strace $0x8FFFFFFF  }
0x99: {  	s20 =	sld [smem:$0x3FDB];
	_ =	sdelay $0x1  }
0x9a: {  	s5 =	simm.s32 $_scs_section_size  }
0x9b: {  	s6 =	simm.s32 $_size__tile_overlayer_lowered;
	s7 =	simm.s32 $_tile_overlayer_lowered  }
0x9c: {  	s23 =	simm.s32 $0x1BFF;
	s22 =	sshll.u32 s7, $0x1;
	s4 =	sadd.s32 s5, s20  }
0x9d: {  	s8 =	simm.s32 $0x0;
	s21 =	sshll.u32 s6, $0x1;
	s6 =	sadd.s32 s22, s4  }
0x9e: {  	[timem:s8], [sflag:s23] =	dma.local [hbm:s6], s21  }
0x9f: {  	_ =	swait.ge [sflag:s23], s21  }
0xa0: {  	s5 =	ssub.s32 $0x0, s21;
	[sflag:s23] =	ssyncset.done $0x0  }
0xa1: {  	[sflag:s23] =	ssyncadd.s32 s5;
	_ =	sdelay $0x1  }
0xa2: {  	s24 =	simm.s32 $0x1B8B  }
0xa3: {  	_ =	swait.ge [sflag:s24], $0x1  }
0xa4: {  	[sflag:s24] =	ssyncset.done $0x0  }
0xa5: {  	s25 =	simm.s32 $0x1B8E;
	[sflag:s24] =	ssyncadd.s32 $0xFFFFFFFF  }
0xa6: {  	s26 =	simm.s32 $execute0_lowered;
	[smem:$0x3FD2] =	sst s25  }
0xa7: {  	s5 =	sshll.u32 s26, $0x1;
	_ =	strace $0x80000046;
	[dreg:$0x1] =	wrdreg $0xFFFFFFFF  }
0xa8: {  	s28 =	simm.s32 $_size_execute0_lowered;
	s4 =	sadd.s32 s4, s5;
	[dreg:$0x0] =	wrdreg $0x0  }
0xa9: {  	s5 =	sshll.u32 s28, $0x1;
	[dreg:$0x2] =	wrdreg s4  }
0xaa: {  	[dreg:$0x3] =	wrdreg s5  }
0xab: {  	[dreg:$0x4] =	wrdreg $0xC0  }
0xac: {  	_ =	task [dreg:s8], $0x5FFFF  }
0xad: {  	[dreg:$0x1] =	wrdreg $0xFFFFFFFF  }
0xae: {  	[dreg:$0x0] =	wrdreg $0x60  }
0xaf: {  	[dreg:$0x2] =	wrdreg s2  }
0xb0: {  	[dreg:$0x3] =	wrdreg s19  }
0xb1: {  	[dreg:$0x4] =	wrdreg $0x9  }
0xb2: {  	_ =	task.clear_ibuf [dreg:s8], $0x5FFFF;
	_ =	strace $0x90000046  }
0xb3: {  	s29 =	simm.s32 $0x9;
	_ =	strace $0x80000048  }
0xb4: {  	_ =	swait.ge [sflag:s29], $0x1  }
0xb5: {  	[sflag:s29] =	ssyncadd.s32 $0xFFFFFFFF  }
0xb6: {  	_ =	strace $0x90000048  }
0xb7: {  	_ =	sfence  }
0xb8: {  	s30 =	sld [smem:$0x0];
	_ =	sdelay $0x2  }
0xb9: {  	s31 =	sshll.u32 s1, $0xD;
	s1 =	sshrl.u32 s1, $0x2  }
0xba: {  	s3 =	sand.u32 $0x4000, s31;
	s1 =	sadd.s32 s1, s30  }
0xbb: {  	s0 =	sor.u32 s3, s0;
	s1 =	sshll.u32 s1, $0x11  }
0xbc: {  	s0 =	sor.u32 s1, s0  }
0xbd: {  	s0 =	sadd.s32 $0x8F2B, s0  }
0xbe: {  	[sflag:s0] =	ssyncadd.remote.s32 $0x1  }
0xbf: {  	_ =	sfence.sel $0xFFFF  }
0xc0: {  	[dreg:$0x0] =	wrdreg $0xFFFFFFFF;
	(pc) =	sbr.abs _section_cstart, $3  }
0xc1: {  	[dreg:$0x1] =	wrdreg $0xFFFFFFFF  }
0xc2: {  	_ =	task.clear_ibuf [dreg:s8], $0x2FFFF;
	_ =	strace $0x9FFFFFFF  }
0xc3: {  	(tm) =	ssettm $0x7FFFFFFF  }
tec
execute0_lowered:
.L_overlay_start_1:
0x0: {  	(tag) =	ssettag $0x1  }
0x1: {  	s2 =	rddreg [dreg:$0x0]  }
0x2: {  	s3 =	rddreg [dreg:$0x1];
	s4 =	srdreg.scid  }
0x3: {  	s0 =	rddreg [dreg:$0x2];
	s1 =	stileid.u32;
	s9 =	simm.s32 $0x12000  }
0x4: {  	s10 =	simm.s32 $0x14000;
	s11 =	simm.s32 $0x2;
	s12 =	simm.s32 $0x16000  }
0x5: {  	s13 =	simm.s32 $0x3;
	s14 =	simm.s32 $0x0;
	s5 =	sand.u32 $0x1, s4  }
0x6: {  	s4 =	simm.s32 $0x0;
	s7 =	sshll.u32 s1, $0x1;
	s6 =	ssub.s32 $0x2, s5  }
0x7: {  	v0 =	vimm.s32 $0x0;
	v1 =	vimm.f32 $0.0e+00;
	v2 =	vimm.s32 $0x1;
	[smem:$0x7FF] =	sst s4;
	s5 =	sor.u32 s5, s7;
	s8 =	sshrl.u32 s6, $0x1  }
0x8: {  	v3 =	vlaneseq.u32;
	vm0 =	vcmask $0x334;
	vm1 =	vcmask $0x2320;
	s7 =	simm.s32 $0x9000;
	_ =	strace $0x80000047;
	s6 =	ssub.s32 s6, s8  }
0x9: {  	vm2 =	vcmask $0x2334;
	vm3 =	vcmask $0x2F2C;
	vm4 =	vcmask $0x2F34;
	s5 =	smul.u32 $0x5, s5;
	s8 =	simm.s32 $0x1;
	s6 =	smax.u32 s6, $0x1  }
.LBB2_1:
0xa: {  	s15 =	simm.s32 $0x0  }
.LBB2_2:
0xb: {  	s17 =	simm.s32 $0x12020  }
0xc: {  	[tilespmem:s17+$0xFFFFFFF0] =	vst v0  }
0xd: {  	[tilespmem:s17+$0x0] =	vst v0  }
0xe: {  	[tilespmem:s17+$0x10] =	vst v0  }
0xf: {  	s16 =	simm.s32 $0x14020;
	[tilespmem:s17+$0xFFFFFFE0] =	vst v0  }
0x10: {  	[tilespmem:s16+$0xFFFFFFF0] =	vst v1  }
0x11: {  	[tilespmem:s16+$0x0] =	vst v1  }
0x12: {  	[tilespmem:s16+$0x10] =	vst v1  }
0x13: {  	s18 =	simm.s32 $0x12060;
	s17 =	simm.s32 $0x0;
	[tilespmem:s16+$0xFFFFFFE0] =	vst v1  }
.LBB2_3:
0x14: {  	[tilespmem:s18+$0xFFFFFFF0] =	vst v0;
	s16 =	sadd.s32 $0x40, s16  }
0x15: {  	s17 =	sadd.s32 $0x4, s17;
	[tilespmem:s16+$0xFFFFFFF0] =	vst v1  }
0x16: {  	p0 =	slt.u32 s17, $0x1FC;
	[tilespmem:s18+$0x0] =	vst v0  }
.Ltmp0:
0x17: {  	[tilespmem:s16+$0x0] =	vst v1;
	(pc) =	sbr.rel @p0 .LBB2_3-.Ltmp0, $4  }
0x18: {  	[tilespmem:s18+$0x10] =	vst v0  }
0x19: {  	[tilespmem:s16+$0x10] =	vst v1  }
0x1a: {  	[tilespmem:s18+$0xFFFFFFE0] =	vst v0  }
0x1b: {  	s18 =	sadd.s32 $0x40, s18;
	[tilespmem:s16+$0xFFFFFFE0] =	vst v1  }
0x1c: {  	s16 =	sadd.s32 s5, s15  }
0x1d: {  	s17 =	smul.u32 $0x24000, s16;
	_ =	sdelay $0x1  }
0x1e: {  	s18 =	sshrl.u32 s17, $0x3  }
0x1f: {  	s18 =	sadd.s32 s2, s18  }
0x20: {  	[tilespmem:s4], [sflag:$0x1] =	stream.linear.gather [hbm4b:s18+s4], $0x9000, $0x38;
	[tilespmem:$0x16080] =	vst v63  }
0x21: {  	s19 =	simm.s32 $0x9000;
	p1 =	por $0x1, $0x1;
	v4 =	vimm.f32 $-3.000000010e+38;
	v5 =	vimm.s32 $0x0;
	s18 =	sadd.s32 $0x2400, s18  }
.LBB2_5:
0x22: {  	s19 =	sadd.s32 s17, s19  }
0x23: {  	s19 =	sshrl.u32 s19, $0x3  }
0x24: {  	s20 =	sadd.s32 s2, s19;
	s19 =	simm.s32 $0x0  }
0x25: {  	[tilespmem:s7], [sflag:$0x2] =	stream.linear.gather [hbm4b:s20+s19], $0x9000, $0x38;
	[tilespmem:$0x16080] =	vst v63  }
0x26: {  	_ =	swait.ge [sflag:s8], $0x9000  }
0x27: {  	[sflag:s8] =	ssyncset.done $0x0  }
0x28: {  	p0 =	por p1, p1;
	s20 =	simm.s32 $0x0;
	[sflag:s8] =	ssyncadd.s32 $0xFFFF7000  }
.LBB2_6:
0x29: {  	s21 =	sshrl.u32 s20, $0x3  }
0x2a: {  	s21 =	smul.u32 $0x3000, s21;
	_ =	sdelay $0x1  }
0x2b: {  	s22 =	sand.u32 $0x380, s19;
	s21 =	sshra.s32 s21, $0x2  }
0x2c: {  	s21 =	sor.u32 s22, s21  }
0x2d: {  	v6 =	vld [tilespmem:s21+$0x0];
	_ =	sdelay $0x4  }
0x2e: {  	v7 =	vshra.s32 v6, $0x1F  }
0x2f: {  	v7 =	vor.u32 $0x80000000, v7  }
0x30: {  	v7 =	vxor.u32 v6, v7  }
0x31: {  	v7 =	vshrl.u32 v7, $0x13;
	_ =	sdelay $0x4  }
0x32: {  	[tilespmem:v7+s9+$0x0] =	vst.idx.add.s32.msk $0xffff, v2  }
0x33: {  	[tilespmem:v7+s10+$0x0] =	vst.idx.add.f32.msk $0xffff, v6  }
0x34: {  	v8 =	vld [tilespmem:s21+$0x10];
	_ =	sdelay $0x4  }
0x35: {  	v9 =	vshra.s32 v8, $0x1F  }
0x36: {  	v9 =	vor.u32 $0x80000000, v9  }
0x37: {  	v9 =	vxor.u32 v8, v9  }
0x38: {  	v9 =	vshrl.u32 v9, $0x13;
	_ =	sdelay $0x4  }
0x39: {  	[tilespmem:v9+s9+$0x0] =	vst.idx.add.s32.msk $0xffff, v2  }
0x3a: {  	[tilespmem:v9+s10+$0x0] =	vst.idx.add.f32.msk $0xffff, v8  }
0x3b: {  	v10 =	vld [tilespmem:s21+$0x20];
	_ =	sdelay $0x4  }
0x3c: {  	v11 =	vshra.s32 v10, $0x1F  }
0x3d: {  	v11 =	vor.u32 $0x80000000, v11  }
0x3e: {  	v11 =	vxor.u32 v10, v11  }
0x3f: {  	v11 =	vshrl.u32 v11, $0x13;
	_ =	sdelay $0x4  }
0x40: {  	[tilespmem:v11+s9+$0x0] =	vst.idx.add.s32.msk $0xffff, v2  }
0x41: {  	[tilespmem:v11+s10+$0x0] =	vst.idx.add.f32.msk $0xffff, v10  }
0x42: {  	v12 =	vld [tilespmem:s21+$0x30];
	_ =	sdelay $0x4  }
0x43: {  	v13 =	vshra.s32 v12, $0x1F  }
0x44: {  	v13 =	vor.u32 $0x80000000, v13  }
0x45: {  	v13 =	vxor.u32 v12, v13  }
0x46: {  	v13 =	vshrl.u32 v13, $0x13;
	_ =	sdelay $0x4  }
0x47: {  	[tilespmem:v13+s9+$0x0] =	vst.idx.add.s32.msk $0xffff, v2  }
0x48: {  	[tilespmem:v13+s10+$0x0] =	vst.idx.add.f32.msk $0xffff, v12  }
0x49: {  	v14 =	vld [tilespmem:s21+$0x40];
	_ =	sdelay $0x4  }
0x4a: {  	v15 =	vshra.s32 v14, $0x1F  }
0x4b: {  	v15 =	vor.u32 $0x80000000, v15  }
0x4c: {  	v15 =	vxor.u32 v14, v15  }
0x4d: {  	v15 =	vshrl.u32 v15, $0x13;
	_ =	sdelay $0x4  }
0x4e: {  	[tilespmem:v15+s9+$0x0] =	vst.idx.add.s32.msk $0xffff, v2  }
0x4f: {  	[tilespmem:v15+s10+$0x0] =	vst.idx.add.f32.msk $0xffff, v14  }
0x50: {  	v16 =	vld [tilespmem:s21+$0x50];
	_ =	sdelay $0x4  }
0x51: {  	v17 =	vshra.s32 v16, $0x1F  }
0x52: {  	v17 =	vor.u32 $0x80000000, v17  }
0x53: {  	v17 =	vxor.u32 v16, v17  }
0x54: {  	v17 =	vshrl.u32 v17, $0x13;
	_ =	sdelay $0x4  }
0x55: {  	[tilespmem:v17+s9+$0x0] =	vst.idx.add.s32.msk $0xffff, v2  }
0x56: {  	[tilespmem:v17+s10+$0x0] =	vst.idx.add.f32.msk $0xffff, v16  }
0x57: {  	v18 =	vld [tilespmem:s21+$0x60];
	_ =	sdelay $0x4  }
0x58: {  	v19 =	vshra.s32 v18, $0x1F  }
0x59: {  	v19 =	vor.u32 $0x80000000, v19  }
0x5a: {  	v19 =	vxor.u32 v18, v19  }
0x5b: {  	v19 =	vshrl.u32 v19, $0x13;
	_ =	sdelay $0x4  }
0x5c: {  	[tilespmem:v19+s9+$0x0] =	vst.idx.add.s32.msk $0xffff, v2  }
0x5d: {  	[tilespmem:v19+s10+$0x0] =	vst.idx.add.f32.msk $0xffff, v18  }
0x5e: {  	v20 =	vld [tilespmem:s21+$0x70];
	_ =	sdelay $0x4  }
0x5f: {  	v21 =	vshra.s32 v20, $0x1F  }
0x60: {  	v21 =	vor.u32 $0x80000000, v21  }
0x61: {  	v21 =	vxor.u32 v20, v21  }
0x62: {  	v21 =	vshrl.u32 v21, $0x13;
	_ =	sdelay $0x4  }
0x63: {  	[tilespmem:v21+s9+$0x0] =	vst.idx.add.s32.msk $0xffff, v2  }
0x64: {  	[tilespmem:v21+s10+$0x0] =	vst.idx.add.f32.msk $0xffff, v20  }
0x65: {  	v22 =	vld [tilespmem:s21+$0x400];
	_ =	sdelay $0x4  }
0x66: {  	v23 =	vshra.s32 v22, $0x1F  }
0x67: {  	v23 =	vor.u32 $0x80000000, v23  }
0x68: {  	v23 =	vxor.u32 v22, v23  }
0x69: {  	v23 =	vshrl.u32 v23, $0x13;
	_ =	sdelay $0x4  }
0x6a: {  	[tilespmem:v23+s9+$0x0] =	vst.idx.add.s32.msk $0xffff, v2  }
0x6b: {  	[tilespmem:v23+s10+$0x0] =	vst.idx.add.f32.msk $0xffff, v22  }
0x6c: {  	v24 =	vld [tilespmem:s21+$0x410];
	_ =	sdelay $0x4  }
0x6d: {  	v25 =	vshra.s32 v24, $0x1F  }
0x6e: {  	v25 =	vor.u32 $0x80000000, v25  }
0x6f: {  	v25 =	vxor.u32 v24, v25  }
0x70: {  	v25 =	vshrl.u32 v25, $0x13;
	_ =	sdelay $0x4  }
0x71: {  	[tilespmem:v25+s9+$0x0] =	vst.idx.add.s32.msk $0xffff, v2  }
0x72: {  	[tilespmem:v25+s10+$0x0] =	vst.idx.add.f32.msk $0xffff, v24  }
0x73: {  	v26 =	vld [tilespmem:s21+$0x420];
	_ =	sdelay $0x4  }
0x74: {  	v27 =	vshra.s32 v26, $0x1F  }
0x75: {  	v27 =	vor.u32 $0x80000000, v27  }
0x76: {  	v27 =	vxor.u32 v26, v27  }
0x77: {  	v27 =	vshrl.u32 v27, $0x13;
	_ =	sdelay $0x4  }
0x78: {  	[tilespmem:v27+s9+$0x0] =	vst.idx.add.s32.msk $0xffff, v2  }
0x79: {  	[tilespmem:v27+s10+$0x0] =	vst.idx.add.f32.msk $0xffff, v26  }
0x7a: {  	v28 =	vld [tilespmem:s21+$0x430];
	_ =	sdelay $0x4  }
0x7b: {  	v29 =	vshra.s32 v28, $0x1F  }
0x7c: {  	v29 =	vor.u32 $0x80000000, v29  }
0x7d: {  	v29 =	vxor.u32 v28, v29  }
0x7e: {  	v29 =	vshrl.u32 v29, $0x13;
	_ =	sdelay $0x4  }
0x7f: {  	[tilespmem:v29+s9+$0x0] =	vst.idx.add.s32.msk $0xffff, v2  }
0x80: {  	[tilespmem:v29+s10+$0x0] =	vst.idx.add.f32.msk $0xffff, v28  }
0x81: {  	v30 =	vld [tilespmem:s21+$0x440];
	_ =	sdelay $0x4  }
0x82: {  	v31 =	vshra.s32 v30, $0x1F  }
0x83: {  	v31 =	vor.u32 $0x80000000, v31  }
0x84: {  	v31 =	vxor.u32 v30, v31  }
0x85: {  	v31 =	vshrl.u32 v31, $0x13;
	_ =	sdelay $0x4  }
0x86: {  	[tilespmem:v31+s9+$0x0] =	vst.idx.add.s32.msk $0xffff, v2  }
0x87: {  	[tilespmem:v31+s10+$0x0] =	vst.idx.add.f32.msk $0xffff, v30  }
0x88: {  	v32 =	vld [tilespmem:s21+$0x450];
	_ =	sdelay $0x4  }
0x89: {  	v33 =	vshra.s32 v32, $0x1F  }
0x8a: {  	v33 =	vor.u32 $0x80000000, v33  }
0x8b: {  	v33 =	vxor.u32 v32, v33  }
0x8c: {  	v33 =	vshrl.u32 v33, $0x13;
	_ =	sdelay $0x4  }
0x8d: {  	[tilespmem:v33+s9+$0x0] =	vst.idx.add.s32.msk $0xffff, v2  }
0x8e: {  	[tilespmem:v33+s10+$0x0] =	vst.idx.add.f32.msk $0xffff, v32  }
0x8f: {  	v34 =	vld [tilespmem:s21+$0x460];
	_ =	sdelay $0x4  }
0x90: {  	v35 =	vshra.s32 v34, $0x1F  }
0x91: {  	v35 =	vor.u32 $0x80000000, v35  }
0x92: {  	v35 =	vxor.u32 v34, v35  }
0x93: {  	v35 =	vshrl.u32 v35, $0x13;
	_ =	sdelay $0x4  }
0x94: {  	[tilespmem:v35+s9+$0x0] =	vst.idx.add.s32.msk $0xffff, v2  }
0x95: {  	[tilespmem:v35+s10+$0x0] =	vst.idx.add.f32.msk $0xffff, v34  }
0x96: {  	v36 =	vld [tilespmem:s21+$0x470];
	_ =	sdelay $0x4  }
0x97: {  	v37 =	vshra.s32 v36, $0x1F  }
0x98: {  	v37 =	vor.u32 $0x80000000, v37  }
0x99: {  	v37 =	vxor.u32 v36, v37  }
0x9a: {  	v37 =	vshrl.u32 v37, $0x13;
	_ =	sdelay $0x4  }
0x9b: {  	[tilespmem:v37+s9+$0x0] =	vst.idx.add.s32.msk $0xffff, v2  }
0x9c: {  	[tilespmem:v37+s10+$0x0] =	vst.idx.add.f32.msk $0xffff, v36  }
0x9d: {  	v38 =	vld [tilespmem:s21+$0x800];
	_ =	sdelay $0x4  }
0x9e: {  	v39 =	vshra.s32 v38, $0x1F  }
0x9f: {  	v39 =	vor.u32 $0x80000000, v39  }
0xa0: {  	v39 =	vxor.u32 v38, v39  }
0xa1: {  	v39 =	vshrl.u32 v39, $0x13;
	_ =	sdelay $0x4  }
0xa2: {  	[tilespmem:v39+s9+$0x0] =	vst.idx.add.s32.msk $0xffff, v2  }
0xa3: {  	[tilespmem:v39+s10+$0x0] =	vst.idx.add.f32.msk $0xffff, v38  }
0xa4: {  	v40 =	vld [tilespmem:s21+$0x810];
	_ =	sdelay $0x4  }
0xa5: {  	v41 =	vshra.s32 v40, $0x1F  }
0xa6: {  	v41 =	vor.u32 $0x80000000, v41  }
0xa7: {  	v41 =	vxor.u32 v40, v41  }
0xa8: {  	v41 =	vshrl.u32 v41, $0x13;
	_ =	sdelay $0x4  }
0xa9: {  	[tilespmem:v41+s9+$0x0] =	vst.idx.add.s32.msk $0xffff, v2  }
0xaa: {  	[tilespmem:v41+s10+$0x0] =	vst.idx.add.f32.msk $0xffff, v40  }
0xab: {  	v42 =	vld [tilespmem:s21+$0x820];
	_ =	sdelay $0x4  }
0xac: {  	v43 =	vshra.s32 v42, $0x1F  }
0xad: {  	v43 =	vor.u32 $0x80000000, v43  }
0xae: {  	v43 =	vxor.u32 v42, v43  }
0xaf: {  	v43 =	vshrl.u32 v43, $0x13;
	_ =	sdelay $0x4  }
0xb0: {  	[tilespmem:v43+s9+$0x0] =	vst.idx.add.s32.msk $0xffff, v2  }
0xb1: {  	[tilespmem:v43+s10+$0x0] =	vst.idx.add.f32.msk $0xffff, v42  }
0xb2: {  	v44 =	vld [tilespmem:s21+$0x830];
	_ =	sdelay $0x4  }
0xb3: {  	v45 =	vshra.s32 v44, $0x1F  }
0xb4: {  	v45 =	vor.u32 $0x80000000, v45  }
0xb5: {  	v45 =	vxor.u32 v44, v45  }
0xb6: {  	v45 =	vshrl.u32 v45, $0x13;
	_ =	sdelay $0x4  }
0xb7: {  	[tilespmem:v45+s9+$0x0] =	vst.idx.add.s32.msk $0xffff, v2  }
0xb8: {  	[tilespmem:v45+s10+$0x0] =	vst.idx.add.f32.msk $0xffff, v44  }
0xb9: {  	v46 =	vld [tilespmem:s21+$0x840];
	_ =	sdelay $0x4  }
0xba: {  	v47 =	vshra.s32 v46, $0x1F  }
0xbb: {  	v47 =	vor.u32 $0x80000000, v47  }
0xbc: {  	v47 =	vxor.u32 v46, v47  }
0xbd: {  	v47 =	vshrl.u32 v47, $0x13;
	_ =	sdelay $0x4  }
0xbe: {  	[tilespmem:v47+s9+$0x0] =	vst.idx.add.s32.msk $0xffff, v2  }
0xbf: {  	[tilespmem:v47+s10+$0x0] =	vst.idx.add.f32.msk $0xffff, v46  }
0xc0: {  	v48 =	vld [tilespmem:s21+$0x850];
	_ =	sdelay $0x4  }
0xc1: {  	v49 =	vshra.s32 v48, $0x1F  }
0xc2: {  	v49 =	vor.u32 $0x80000000, v49  }
0xc3: {  	v49 =	vxor.u32 v48, v49  }
0xc4: {  	v49 =	vshrl.u32 v49, $0x13;
	_ =	sdelay $0x4  }
0xc5: {  	[tilespmem:v49+s9+$0x0] =	vst.idx.add.s32.msk $0xffff, v2  }
0xc6: {  	[tilespmem:v49+s10+$0x0] =	vst.idx.add.f32.msk $0xffff, v48  }
0xc7: {  	v50 =	vld [tilespmem:s21+$0x860];
	_ =	sdelay $0x4  }
0xc8: {  	vm5 =	vgt.s32 v5, v7;
	v51 =	vshra.s32 v50, $0x1F  }
0xc9: {  	v4 =	vmax.f32 v4, v6;
	v5 =	vsel vm5, v5, v7;
	v6 =	vor.u32 $0x80000000, v51  }
0xca: {  	v4 =	vmax.f32 v4, v8;
	v5 =	vmax.u32 v5, v9;
	v6 =	vxor.u32 v50, v6  }
0xcb: {  	v4 =	vmax.f32 v4, v10;
	v5 =	vmax.u32 v5, v11;
	v6 =	vshrl.u32 v6, $0x13  }
0xcc: {  	v4 =	vmax.f32 v4, v12;
	v5 =	vmax.u32 v5, v13  }
0xcd: {  	v4 =	vmax.f32 v4, v14;
	v5 =	vmax.u32 v5, v15  }
0xce: {  	v4 =	vmax.f32 v4, v16;
	v5 =	vmax.u32 v5, v17  }
0xcf: {  	v4 =	vmax.f32 v4, v18;
	v5 =	vmax.u32 v5, v19  }
0xd0: {  	v4 =	vmax.f32 v4, v20;
	v5 =	vmax.u32 v5, v21;
	[tilespmem:v6+s9+$0x0] =	vst.idx.add.s32.msk $0xffff, v2  }
0xd1: {  	v4 =	vmax.f32 v4, v22;
	v5 =	vmax.u32 v5, v23;
	[tilespmem:v6+s10+$0x0] =	vst.idx.add.f32.msk $0xffff, v50  }
0xd2: {  	v4 =	vmax.f32 v4, v24;
	v5 =	vmax.u32 v5, v25;
	v7 =	vld [tilespmem:s21+$0x870]  }
0xd3: {  	v4 =	vmax.f32 v4, v26;
	v5 =	vmax.u32 v5, v27  }
0xd4: {  	v4 =	vmax.f32 v4, v28;
	v5 =	vmax.u32 v5, v29  }
0xd5: {  	v4 =	vmax.f32 v4, v30;
	v5 =	vmax.u32 v5, v31  }
0xd6: {  	v4 =	vmax.f32 v4, v32;
	v5 =	vmax.u32 v5, v33  }
0xd7: {  	v4 =	vmax.f32 v4, v34;
	v5 =	vmax.u32 v5, v35;
	v63 =	vshra.s32 v7, $0x1F  }
0xd8: {  	v4 =	vmax.f32 v4, v36;
	v5 =	vmax.u32 v5, v37;
	v8 =	vor.u32 $0x80000000, v63  }
0xd9: {  	v4 =	vmax.f32 v4, v38;
	v5 =	vmax.u32 v5, v39;
	v8 =	vxor.u32 v7, v8  }
0xda: {  	v4 =	vmax.f32 v4, v40;
	v5 =	vmax.u32 v5, v41;
	v8 =	vshrl.u32 v8, $0x13  }
0xdb: {  	p1 =	sne.s32 s20, $0x5F;
	v4 =	vmax.f32 v4, v42;
	v5 =	vmax.u32 v5, v43  }
.Ltmp1:
0xdc: {  	v4 =	vmax.f32 v4, v44;
	v5 =	vmax.u32 v5, v45;
	(pc) =	sbr.rel @p1 .LBB2_6-.Ltmp1, $4  }
0xdd: {  	v4 =	vmax.f32 v4, v46;
	v5 =	vmax.u32 v5, v47  }
0xde: {  	v4 =	vmax.f32 v4, v48;
	v5 =	vmax.u32 v5, v49  }
0xdf: {  	v4 =	vmax.f32 v4, v50;
	v5 =	vmax.u32 v5, v6;
	[tilespmem:v8+s9+$0x0] =	vst.idx.add.s32.msk $0xffff, v2  }
0xe0: {  	s19 =	sadd.s32 $0x80, s19;
	s20 =	sadd.s32 $0x1, s20;
	v4 =	vmax.f32 v4, v7;
	v5 =	vmax.u32 v5, v8;
	[tilespmem:v8+s10+$0x0] =	vst.idx.add.f32.msk $0xffff, v7  }
0xe1: {  	s19 =	simm.s32 @p0 $0x0  }
0xe2: {  	[tilespmem:s19], [sflag:$0x1] =	stream.linear.gather @p0 [hbm4b:s18+s19], $0x9000, $0x38;
	[tilespmem:$0x16080] =	vst v63  }
0xe3: {  	_ =	swait.ge [sflag:s11], $0x9000  }
0xe4: {  	[sflag:s11] =	ssyncset.done $0x0  }
0xe5: {  	s20 =	simm.s32 $0x0;
	s19 =	simm.s32 $0x0;
	[sflag:s11] =	ssyncadd.s32 $0xFFFF7000  }
.LBB2_8:
0xe6: {  	s21 =	sshrl.u32 s20, $0x3  }
0xe7: {  	s21 =	smul.u32 $0x3000, s21;
	_ =	sdelay $0x1  }
0xe8: {  	s22 =	sand.u32 $0x380, s19;
	s21 =	sshra.s32 s21, $0x2  }
0xe9: {  	s21 =	sor.u32 s22, s21  }
0xea: {  	v6 =	vld [tilespmem:s21+$0x9000];
	_ =	sdelay $0x4  }
0xeb: {  	v7 =	vshra.s32 v6, $0x1F  }
0xec: {  	v7 =	vor.u32 $0x80000000, v7  }
0xed: {  	v7 =	vxor.u32 v6, v7  }
0xee: {  	v7 =	vshrl.u32 v7, $0x13;
	_ =	sdelay $0x4  }
0xef: {  	[tilespmem:v7+s9+$0x0] =	vst.idx.add.s32.msk $0xffff, v2  }
0xf0: {  	[tilespmem:v7+s10+$0x0] =	vst.idx.add.f32.msk $0xffff, v6  }
0xf1: {  	v8 =	vld [tilespmem:s21+$0x9010];
	_ =	sdelay $0x4  }
0xf2: {  	v9 =	vshra.s32 v8, $0x1F  }
0xf3: {  	v9 =	vor.u32 $0x80000000, v9  }
0xf4: {  	v9 =	vxor.u32 v8, v9  }
0xf5: {  	v9 =	vshrl.u32 v9, $0x13;
	_ =	sdelay $0x4  }
0xf6: {  	[tilespmem:v9+s9+$0x0] =	vst.idx.add.s32.msk $0xffff, v2  }
0xf7: {  	[tilespmem:v9+s10+$0x0] =	vst.idx.add.f32.msk $0xffff, v8  }
0xf8: {  	v10 =	vld [tilespmem:s21+$0x9020];
	_ =	sdelay $0x4  }
0xf9: {  	v11 =	vshra.s32 v10, $0x1F  }
0xfa: {  	v11 =	vor.u32 $0x80000000, v11  }
0xfb: {  	v11 =	vxor.u32 v10, v11  }
0xfc: {  	v11 =	vshrl.u32 v11, $0x13;
	_ =	sdelay $0x4  }
0xfd: {  	[tilespmem:v11+s9+$0x0] =	vst.idx.add.s32.msk $0xffff, v2  }
0xfe: {  	[tilespmem:v11+s10+$0x0] =	vst.idx.add.f32.msk $0xffff, v10  }
0xff: {  	v12 =	vld [tilespmem:s21+$0x9030];
	_ =	sdelay $0x4  }
0x100: {  	v13 =	vshra.s32 v12, $0x1F  }
0x101: {  	v13 =	vor.u32 $0x80000000, v13  }
0x102: {  	v13 =	vxor.u32 v12, v13  }
0x103: {  	v13 =	vshrl.u32 v13, $0x13;
	_ =	sdelay $0x4  }
0x104: {  	[tilespmem:v13+s9+$0x0] =	vst.idx.add.s32.msk $0xffff, v2  }
0x105: {  	[tilespmem:v13+s10+$0x0] =	vst.idx.add.f32.msk $0xffff, v12  }
0x106: {  	v14 =	vld [tilespmem:s21+$0x9040];
	_ =	sdelay $0x4  }
0x107: {  	v15 =	vshra.s32 v14, $0x1F  }
0x108: {  	v15 =	vor.u32 $0x80000000, v15  }
0x109: {  	v15 =	vxor.u32 v14, v15  }
0x10a: {  	v15 =	vshrl.u32 v15, $0x13;
	_ =	sdelay $0x4  }
0x10b: {  	[tilespmem:v15+s9+$0x0] =	vst.idx.add.s32.msk $0xffff, v2  }
0x10c: {  	[tilespmem:v15+s10+$0x0] =	vst.idx.add.f32.msk $0xffff, v14  }
0x10d: {  	v16 =	vld [tilespmem:s21+$0x9050];
	_ =	sdelay $0x4  }
0x10e: {  	v17 =	vshra.s32 v16, $0x1F  }
0x10f: {  	v17 =	vor.u32 $0x80000000, v17  }
0x110: {  	v17 =	vxor.u32 v16, v17  }
0x111: {  	v17 =	vshrl.u32 v17, $0x13;
	_ =	sdelay $0x4  }
0x112: {  	[tilespmem:v17+s9+$0x0] =	vst.idx.add.s32.msk $0xffff, v2  }
0x113: {  	[tilespmem:v17+s10+$0x0] =	vst.idx.add.f32.msk $0xffff, v16  }
0x114: {  	v18 =	vld [tilespmem:s21+$0x9060];
	_ =	sdelay $0x4  }
0x115: {  	v19 =	vshra.s32 v18, $0x1F  }
0x116: {  	v19 =	vor.u32 $0x80000000, v19  }
0x117: {  	v19 =	vxor.u32 v18, v19  }
0x118: {  	v19 =	vshrl.u32 v19, $0x13;
	_ =	sdelay $0x4  }
0x119: {  	[tilespmem:v19+s9+$0x0] =	vst.idx.add.s32.msk $0xffff, v2  }
0x11a: {  	[tilespmem:v19+s10+$0x0] =	vst.idx.add.f32.msk $0xffff, v18  }
0x11b: {  	v20 =	vld [tilespmem:s21+$0x9070];
	_ =	sdelay $0x4  }
0x11c: {  	v21 =	vshra.s32 v20, $0x1F  }
0x11d: {  	v21 =	vor.u32 $0x80000000, v21  }
0x11e: {  	v21 =	vxor.u32 v20, v21  }
0x11f: {  	v21 =	vshrl.u32 v21, $0x13;
	_ =	sdelay $0x4  }
0x120: {  	[tilespmem:v21+s9+$0x0] =	vst.idx.add.s32.msk $0xffff, v2  }
0x121: {  	[tilespmem:v21+s10+$0x0] =	vst.idx.add.f32.msk $0xffff, v20  }
0x122: {  	v22 =	vld [tilespmem:s21+$0x9400];
	_ =	sdelay $0x4  }
0x123: {  	v23 =	vshra.s32 v22, $0x1F  }
0x124: {  	v23 =	vor.u32 $0x80000000, v23  }
0x125: {  	v23 =	vxor.u32 v22, v23  }
0x126: {  	v23 =	vshrl.u32 v23, $0x13;
	_ =	sdelay $0x4  }
0x127: {  	[tilespmem:v23+s9+$0x0] =	vst.idx.add.s32.msk $0xffff, v2  }
0x128: {  	[tilespmem:v23+s10+$0x0] =	vst.idx.add.f32.msk $0xffff, v22  }
0x129: {  	v24 =	vld [tilespmem:s21+$0x9410];
	_ =	sdelay $0x4  }
0x12a: {  	v25 =	vshra.s32 v24, $0x1F  }
0x12b: {  	v25 =	vor.u32 $0x80000000, v25  }
0x12c: {  	v25 =	vxor.u32 v24, v25  }
0x12d: {  	v25 =	vshrl.u32 v25, $0x13;
	_ =	sdelay $0x4  }
0x12e: {  	[tilespmem:v25+s9+$0x0] =	vst.idx.add.s32.msk $0xffff, v2  }
0x12f: {  	[tilespmem:v25+s10+$0x0] =	vst.idx.add.f32.msk $0xffff, v24  }
0x130: {  	v26 =	vld [tilespmem:s21+$0x9420];
	_ =	sdelay $0x4  }
0x131: {  	v27 =	vshra.s32 v26, $0x1F  }
0x132: {  	v27 =	vor.u32 $0x80000000, v27  }
0x133: {  	v27 =	vxor.u32 v26, v27  }
0x134: {  	v27 =	vshrl.u32 v27, $0x13;
	_ =	sdelay $0x4  }
0x135: {  	[tilespmem:v27+s9+$0x0] =	vst.idx.add.s32.msk $0xffff, v2  }
0x136: {  	[tilespmem:v27+s10+$0x0] =	vst.idx.add.f32.msk $0xffff, v26  }
0x137: {  	v28 =	vld [tilespmem:s21+$0x9430];
	_ =	sdelay $0x4  }
0x138: {  	v29 =	vshra.s32 v28, $0x1F  }
0x139: {  	v29 =	vor.u32 $0x80000000, v29  }
0x13a: {  	v29 =	vxor.u32 v28, v29  }
0x13b: {  	v29 =	vshrl.u32 v29, $0x13;
	_ =	sdelay $0x4  }
0x13c: {  	[tilespmem:v29+s9+$0x0] =	vst.idx.add.s32.msk $0xffff, v2  }
0x13d: {  	[tilespmem:v29+s10+$0x0] =	vst.idx.add.f32.msk $0xffff, v28  }
0x13e: {  	v30 =	vld [tilespmem:s21+$0x9440];
	_ =	sdelay $0x4  }
0x13f: {  	v31 =	vshra.s32 v30, $0x1F  }
0x140: {  	v31 =	vor.u32 $0x80000000, v31  }
0x141: {  	v31 =	vxor.u32 v30, v31  }
0x142: {  	v31 =	vshrl.u32 v31, $0x13;
	_ =	sdelay $0x4  }
0x143: {  	[tilespmem:v31+s9+$0x0] =	vst.idx.add.s32.msk $0xffff, v2  }
0x144: {  	[tilespmem:v31+s10+$0x0] =	vst.idx.add.f32.msk $0xffff, v30  }
0x145: {  	v32 =	vld [tilespmem:s21+$0x9450];
	_ =	sdelay $0x4  }
0x146: {  	v33 =	vshra.s32 v32, $0x1F  }
0x147: {  	v33 =	vor.u32 $0x80000000, v33  }
0x148: {  	v33 =	vxor.u32 v32, v33  }
0x149: {  	v33 =	vshrl.u32 v33, $0x13;
	_ =	sdelay $0x4  }
0x14a: {  	[tilespmem:v33+s9+$0x0] =	vst.idx.add.s32.msk $0xffff, v2  }
0x14b: {  	[tilespmem:v33+s10+$0x0] =	vst.idx.add.f32.msk $0xffff, v32  }
0x14c: {  	v34 =	vld [tilespmem:s21+$0x9460];
	_ =	sdelay $0x4  }
0x14d: {  	v35 =	vshra.s32 v34, $0x1F  }
0x14e: {  	v35 =	vor.u32 $0x80000000, v35  }
0x14f: {  	v35 =	vxor.u32 v34, v35  }
0x150: {  	v35 =	vshrl.u32 v35, $0x13;
	_ =	sdelay $0x4  }
0x151: {  	[tilespmem:v35+s9+$0x0] =	vst.idx.add.s32.msk $0xffff, v2  }
0x152: {  	[tilespmem:v35+s10+$0x0] =	vst.idx.add.f32.msk $0xffff, v34  }
0x153: {  	v36 =	vld [tilespmem:s21+$0x9470];
	_ =	sdelay $0x4  }
0x154: {  	v37 =	vshra.s32 v36, $0x1F  }
0x155: {  	v37 =	vor.u32 $0x80000000, v37  }
0x156: {  	v37 =	vxor.u32 v36, v37  }
0x157: {  	v37 =	vshrl.u32 v37, $0x13;
	_ =	sdelay $0x4  }
0x158: {  	[tilespmem:v37+s9+$0x0] =	vst.idx.add.s32.msk $0xffff, v2  }
0x159: {  	[tilespmem:v37+s10+$0x0] =	vst.idx.add.f32.msk $0xffff, v36  }
0x15a: {  	v38 =	vld [tilespmem:s21+$0x9800];
	_ =	sdelay $0x4  }
0x15b: {  	v39 =	vshra.s32 v38, $0x1F  }
0x15c: {  	v39 =	vor.u32 $0x80000000, v39  }
0x15d: {  	v39 =	vxor.u32 v38, v39  }
0x15e: {  	v39 =	vshrl.u32 v39, $0x13;
	_ =	sdelay $0x4  }
0x15f: {  	[tilespmem:v39+s9+$0x0] =	vst.idx.add.s32.msk $0xffff, v2  }
0x160: {  	[tilespmem:v39+s10+$0x0] =	vst.idx.add.f32.msk $0xffff, v38  }
0x161: {  	v40 =	vld [tilespmem:s21+$0x9810];
	_ =	sdelay $0x4  }
0x162: {  	v41 =	vshra.s32 v40, $0x1F  }
0x163: {  	v41 =	vor.u32 $0x80000000, v41  }
0x164: {  	v41 =	vxor.u32 v40, v41  }
0x165: {  	v41 =	vshrl.u32 v41, $0x13;
	_ =	sdelay $0x4  }
0x166: {  	[tilespmem:v41+s9+$0x0] =	vst.idx.add.s32.msk $0xffff, v2  }
0x167: {  	[tilespmem:v41+s10+$0x0] =	vst.idx.add.f32.msk $0xffff, v40  }
0x168: {  	v42 =	vld [tilespmem:s21+$0x9820];
	_ =	sdelay $0x4  }
0x169: {  	v43 =	vshra.s32 v42, $0x1F  }
0x16a: {  	v43 =	vor.u32 $0x80000000, v43  }
0x16b: {  	v43 =	vxor.u32 v42, v43  }
0x16c: {  	v43 =	vshrl.u32 v43, $0x13;
	_ =	sdelay $0x4  }
0x16d: {  	[tilespmem:v43+s9+$0x0] =	vst.idx.add.s32.msk $0xffff, v2  }
0x16e: {  	[tilespmem:v43+s10+$0x0] =	vst.idx.add.f32.msk $0xffff, v42  }
0x16f: {  	v44 =	vld [tilespmem:s21+$0x9830];
	_ =	sdelay $0x4  }
0x170: {  	v45 =	vshra.s32 v44, $0x1F  }
0x171: {  	v45 =	vor.u32 $0x80000000, v45  }
0x172: {  	v45 =	vxor.u32 v44, v45  }
0x173: {  	v45 =	vshrl.u32 v45, $0x13;
	_ =	sdelay $0x4  }
0x174: {  	[tilespmem:v45+s9+$0x0] =	vst.idx.add.s32.msk $0xffff, v2  }
0x175: {  	[tilespmem:v45+s10+$0x0] =	vst.idx.add.f32.msk $0xffff, v44  }
0x176: {  	v46 =	vld [tilespmem:s21+$0x9840];
	_ =	sdelay $0x4  }
0x177: {  	v47 =	vshra.s32 v46, $0x1F  }
0x178: {  	v47 =	vor.u32 $0x80000000, v47  }
0x179: {  	v47 =	vxor.u32 v46, v47  }
0x17a: {  	v47 =	vshrl.u32 v47, $0x13;
	_ =	sdelay $0x4  }
0x17b: {  	[tilespmem:v47+s9+$0x0] =	vst.idx.add.s32.msk $0xffff, v2  }
0x17c: {  	[tilespmem:v47+s10+$0x0] =	vst.idx.add.f32.msk $0xffff, v46  }
0x17d: {  	v48 =	vld [tilespmem:s21+$0x9850];
	_ =	sdelay $0x4  }
0x17e: {  	v49 =	vshra.s32 v48, $0x1F  }
0x17f: {  	v49 =	vor.u32 $0x80000000, v49  }
0x180: {  	v49 =	vxor.u32 v48, v49  }
0x181: {  	v49 =	vshrl.u32 v49, $0x13;
	_ =	sdelay $0x4  }
0x182: {  	[tilespmem:v49+s9+$0x0] =	vst.idx.add.s32.msk $0xffff, v2  }
0x183: {  	[tilespmem:v49+s10+$0x0] =	vst.idx.add.f32.msk $0xffff, v48  }
0x184: {  	v50 =	vld [tilespmem:s21+$0x9860];
	_ =	sdelay $0x4  }
0x185: {  	vm5 =	vgt.s32 v5, v7;
	v51 =	vshra.s32 v50, $0x1F  }
0x186: {  	v4 =	vmax.f32 v4, v6;
	v5 =	vsel vm5, v5, v7;
	v6 =	vor.u32 $0x80000000, v51  }
0x187: {  	v4 =	vmax.f32 v4, v8;
	v5 =	vmax.u32 v5, v9;
	v6 =	vxor.u32 v50, v6  }
0x188: {  	v4 =	vmax.f32 v4, v10;
	v5 =	vmax.u32 v5, v11;
	v6 =	vshrl.u32 v6, $0x13  }
0x189: {  	v4 =	vmax.f32 v4, v12;
	v5 =	vmax.u32 v5, v13  }
0x18a: {  	v4 =	vmax.f32 v4, v14;
	v5 =	vmax.u32 v5, v15  }
0x18b: {  	v4 =	vmax.f32 v4, v16;
	v5 =	vmax.u32 v5, v17  }
0x18c: {  	v4 =	vmax.f32 v4, v18;
	v5 =	vmax.u32 v5, v19  }
0x18d: {  	v4 =	vmax.f32 v4, v20;
	v5 =	vmax.u32 v5, v21;
	[tilespmem:v6+s9+$0x0] =	vst.idx.add.s32.msk $0xffff, v2  }
0x18e: {  	v4 =	vmax.f32 v4, v22;
	v5 =	vmax.u32 v5, v23;
	[tilespmem:v6+s10+$0x0] =	vst.idx.add.f32.msk $0xffff, v50  }
0x18f: {  	v4 =	vmax.f32 v4, v24;
	v5 =	vmax.u32 v5, v25;
	v7 =	vld [tilespmem:s21+$0x9870]  }
0x190: {  	v4 =	vmax.f32 v4, v26;
	v5 =	vmax.u32 v5, v27  }
0x191: {  	v4 =	vmax.f32 v4, v28;
	v5 =	vmax.u32 v5, v29  }
0x192: {  	v4 =	vmax.f32 v4, v30;
	v5 =	vmax.u32 v5, v31  }
0x193: {  	v4 =	vmax.f32 v4, v32;
	v5 =	vmax.u32 v5, v33  }
0x194: {  	v4 =	vmax.f32 v4, v34;
	v5 =	vmax.u32 v5, v35;
	v63 =	vshra.s32 v7, $0x1F  }
0x195: {  	v4 =	vmax.f32 v4, v36;
	v5 =	vmax.u32 v5, v37;
	v8 =	vor.u32 $0x80000000, v63  }
0x196: {  	v4 =	vmax.f32 v4, v38;
	v5 =	vmax.u32 v5, v39;
	v8 =	vxor.u32 v7, v8  }
0x197: {  	v4 =	vmax.f32 v4, v40;
	v5 =	vmax.u32 v5, v41;
	v8 =	vshrl.u32 v8, $0x13  }
0x198: {  	p1 =	sne.s32 s20, $0x5F;
	v4 =	vmax.f32 v4, v42;
	v5 =	vmax.u32 v5, v43  }
.Ltmp2:
0x199: {  	v4 =	vmax.f32 v4, v44;
	v5 =	vmax.u32 v5, v45;
	(pc) =	sbr.rel @p1 .LBB2_8-.Ltmp2, $4  }
0x19a: {  	v4 =	vmax.f32 v4, v46;
	v5 =	vmax.u32 v5, v47  }
0x19b: {  	v4 =	vmax.f32 v4, v48;
	v5 =	vmax.u32 v5, v49  }
0x19c: {  	v4 =	vmax.f32 v4, v50;
	v5 =	vmax.u32 v5, v6;
	[tilespmem:v8+s9+$0x0] =	vst.idx.add.s32.msk $0xffff, v2  }
0x19d: {  	s19 =	sadd.s32 $0x80, s19;
	s20 =	sadd.s32 $0x1, s20;
	v4 =	vmax.f32 v4, v7;
	v5 =	vmax.u32 v5, v8;
	[tilespmem:v8+s10+$0x0] =	vst.idx.add.f32.msk $0xffff, v7  }
.Ltmp3:
0x19e: {  	(pc) =	sbr.rel @p0 .LBB2_5-.Ltmp3, $2  }
0x19f: {  	_ =	sdelay $0x2  }
0x1a0: {  	s19 =	simm.s32 $0x1B000;
	p1 =	por $0x0, $0x0  }
0x1a1: {  	v5 =	vxor.u32 $0x80000000, v5  }
0x1a2: {  	(xrf0) =	vmax.scan.msk.u32 $0xffff, v5;
	_ =	sdelay $0x5  }
0x1a3: {  	v5, _, _ =	vpop (xrf0)  }
0x1a4: {  	(v2sf) =	vpush v5, $0xF;
	_ =	sdelay $0xe  }
0x1a5: {  	s17 =	spop (v2sf)  }
0x1a6: {  	s18 =	sxor.u32 $0x80000000, s17  }
0x1a7: {  	p1 =	sgt.s32 s17, $0xFFFFFFFF;
	s17 =	sand.u32 $0xF, s17;
	p0 =	slt.s32 s18, $0x1  }
0x1a8: {  	s19 =	sshra.s32 s18, $0x1F;
	p6 =	sne.s32 s17, $0x0;
	p0 =	por p1, p0  }
0x1a9: {  	s29 =	sshrl.u32 s19, $0x1C;
	p0 =	por !p6, !p0  }
0x1aa: {  	s17 =	sadd.s32 s29, s18;
	s18 =	simm.s32 $0x1;
	p0 =	por !p0, !p0  }
0x1ab: {  	s17 =	sshra.s32 s17, $0x4;
	s18 =	simm.s32 @!p0 $0x0  }
0x1ac: {  	s17 =	ssub.s32 s17, s18  }
0x1ad: {  	s18 =	sshll.u32 s17, $0x6  }
0x1ae: {  	s18 =	sshra.s32 s18, $0x2  }
0x1af: {  	s24 =	sadd.s32 $0x12000, s18  }
0x1b0: {  	s23 =	sadd.s32 $0x14000, s18;
	v6 =	vld [tilespmem:s24+$0x0]  }
0x1b1: {  	v5 =	vld [tilespmem:s23+$0x0];
	_ =	sdelay $0x3  }
0x1b2: {  	(xrf0) =	vadd.scan.msk.s32 $0xffff, v6  }
0x1b3: {  	(xrf2) =	vadd.scan.msk.f32 $0xffff, v5;
	_ =	sdelay $0x4  }
0x1b4: {  	v7, _, _ =	vpop (xrf0)  }
0x1b5: {  	(v2sf) =	vpush v7, $0xF;
	_ =	sdelay $0x3  }
0x1b6: {  	v7, _, _ =	vpop (xrf2)  }
0x1b7: {  	(v2sf) =	vpush v7, $0xF;
	_ =	sdelay $0x9  }
0x1b8: {  	s30 =	spop (v2sf)  }
0x1b9: {  	s19 =	sadd.s32 $0x0, s30  }
0x1ba: {  	p0 =	slt.s32 s19, $0xB85  }
.Ltmp4:
0x1bb: {  	_ = 	snop;
	(pc) =	sbr.rel @!p0 .LBB2_12-.Ltmp4, $4  }
0x1bc: {  	_ = 	snop  }
0x1bd: {  	s20 =	simm.f32 $0.0e+00;
	s31 =	spop (v2sf)  }
0x1be: {  	s22 =	sadd.s32 $0x1, s17;
	s18 =	sadd.f32 s31, s20  }
0x1bf: {  	s21 =	simm.s32 $0x0;
	s22 =	sadd.s32 $0xFFFFFFFF, s22;
	s24 =	sadd.s32 $0xFFFFFFF0, s24  }
.LBB2_11:
0x1c0: {  	s21 =	smov.u32 s19;
	s20 =	smov.u32 s18  }
0x1c1: {  	s23 =	sadd.s32 $0xFFFFFFF0, s23;
	v6 =	vld [tilespmem:s24+$0x0]  }
0x1c2: {  	v5 =	vld [tilespmem:s23+$0x0];
	_ =	sdelay $0x3  }
0x1c3: {  	(xrf0) =	vadd.scan.msk.s32 $0xffff, v6  }
0x1c4: {  	(xrf2) =	vadd.scan.msk.f32 $0xffff, v5;
	_ =	sdelay $0x4  }
0x1c5: {  	v7, _, _ =	vpop (xrf0);
	_ =	sdelay $0x1  }
0x1c6: {  	(v2sf) =	vpush v7, $0xF;
	_ =	sdelay $0x2  }
0x1c7: {  	v7, _, _ =	vpop (xrf2)  }
0x1c8: {  	(v2sf) =	vpush v7, $0xF;
	_ =	sdelay $0xa  }
0x1c9: {  	s25 =	spop (v2sf)  }
0x1ca: {  	s19 =	sadd.s32 s19, s25  }
0x1cb: {  	p0 =	slt.s32 s19, $0xB85  }
.Ltmp5:
0x1cc: {  	(pc) =	sbr.rel @p0 .LBB2_11-.Ltmp5, $4  }
0x1cd: {  	_ = 	snop  }
0x1ce: {  	s25 =	spop (v2sf)  }
0x1cf: {  	s22 =	sadd.s32 $0xFFFFFFFF, s22;
	s18 =	sadd.f32 s25, s18  }
0x1d0: {  	s24 =	sadd.s32 $0xFFFFFFF0, s24  }
.LBB2_12:
0x1d1: {  	v7 =	vmul.u32 $0xFFFFFFFF, v3;
	_ =	sdelay $0x1  }
0x1d2: {  	v7 =	vadd.s32 $0xF, v7  }
0x1d3: {  	v6 =	vperm.xlane v6, v7  }
0x1d4: {  	(xrf0) =	vmax.scan.msk.f32 $0xffff, v4  }
0x1d5: {  	(xrf0) =	vadd.scan.msk.s32 $0xffff, v6;
	_ =	sdelay $0x4  }
0x1d6: {  	v4, _, _ =	vpop (xrf0)  }
0x1d7: {  	v8, _, _ =	vpop (xrf0)  }
0x1d8: {  	v9 =	vadd.s32 s21, v8  }
0x1d9: {  	vm5 =	vgt.s32 v9, $0xB84  }
0x1da: {  	v5 =	vperm.xlane v5, v7;
	v59 =	vmpcnt.ones.xlane vm5;
	_ =	sdelay $0x1  }
0x1db: {  	(xrf2) =	vadd.scan.msk.f32 $0xffff, v5;
	v7 =	vsub.s32 $0x10, v59  }
0x1dc: {  	vm5 =	veq.s32 v7, v3  }
0x1dd: {  	v6 =	vnsel vm5, $0x0, v6  }
0x1de: {  	(xrf0) =	vadd.scan.msk.s32 $0xffff, v6;
	_ =	sdelay $0x2  }
0x1df: {  	v5 =	vnsel vm5, $0x0, v5;
	_ =	sdelay $0x1  }
0x1e0: {  	(xrf2) =	vadd.scan.msk.f32 $0xffff, v5  }
0x1e1: {  	v5, _, _ =	vpop (xrf0)  }
0x1e2: {  	v60, _, _ =	vpop (xrf2);
	(v2sf) =	vpush v5, $0xF  }
0x1e3: {  	v5 =	vnsel vm5, $0x0, v60  }
0x1e4: {  	v61 =	vnsel vm5, $0x0, v8;
	(xrf2) =	vadd.scan.msk.f32 $0xffff, v5  }
0x1e5: {  	(xrf0) =	vadd.scan.msk.s32 $0xffff, v61;
	_ =	sdelay $0x4  }
0x1e6: {  	v5, _, _ =	vpop (xrf2)  }
0x1e7: {  	(v2sf) =	vpush v5, $0xF;
	v6, _, _ =	vpop (xrf0)  }
0x1e8: {  	(v2sf) =	vpush v6, $0xF;
	_ =	sdelay $0x1  }
0x1e9: {  	v62, _, _ =	vpop (xrf2)  }
0x1ea: {  	(v2sf) =	vpush v62, $0xF;
	_ =	sdelay $0x1  }
0x1eb: {  	s23 =	spop (v2sf)  }
0x1ec: {  	s24 =	scvt.s32.f32 s23;
	_ =	sdelay $0x1  }
0x1ed: {  	v63 =	vmov s24  }
0x1ee: {  	(erf) = vrcp.f32 v63;
	_ =	sdelay $0x4  }
0x1ef: {  	s25 =	spop (v2sf)  }
0x1f0: {  	s26 =	spop (v2sf)  }
0x1f1: {  	s26 =	sadd.s32 s21, s26  }
0x1f2: {  	v5 =	vbroadcast v5, $0xF;
	s23 =	ssub.s32 s26, s23  }
0x1f3: {  	s28 =	ssub.s32 $0xB85, s23;
	s31 =	spop (v2sf);
	v6 =	vpop (erf)  }
0x1f4: {  	s28 =	scvt.s32.f32 s28;
	s26 =	sadd.f32 s31, s20;
	v6 =	vmul.f32 v6, v5  }
0x1f5: {  	_ = 	snop  }
0x1f6: {  	s25 =	ssub.f32 s26, s25;
	v6 =	vmul.f32 s28, v6;
	_ =	sdelay $0x1  }
0x1f7: {  	v6 =	vadd.f32 s25, v6;
	_ =	sdelay $0x1  }
0x1f8: {  	v6 =	vmul.f32 $3.390980130e-04, v6  }
0x1f9: {  	v4 =	vbroadcast v4, $0xF;
	vm5 =	vmmov $0x1  }
0x1fa: {  	s17 =	scvt.s32.f32 s17;
	v6 =	vnsel vm5, $0x0, v6  }
0x1fb: {  	s22 =	scvt.s32.f32 s22;
	vm5 =	veq.s32 v3, $0x2;
	v4 =	vsel vm0, v6, v4  }
0x1fc: {  	s29 =	scvt.s32.f32 s21;
	v4 =	vsel vm5, s17, v4;
	vm5 =	veq.s32 v3, $0x3  }
0x1fd: {  	v4 =	vsel vm5, s22, v4;
	vm5 =	veq.s32 v3, $0x4  }
0x1fe: {  	s30 =	scvt.s32.f32 s19;
	v4 =	vsel vm5, s29, v4;
	vm5 =	veq.s32 v3, $0x5  }
0x1ff: {  	v4 =	vsel vm5, s20, v4;
	vm5 =	veq.s32 v3, $0x6  }
0x200: {  	v4 =	vsel vm5, s30, v4;
	vm5 =	veq.s32 v3, $0x7  }
0x201: {  	v4 =	vsel vm5, s18, v4  }
0x202: {  	s31 =	scvt.s32.f32 s23;
	v4 =	vsel vm1, s24, v4  }
0x203: {  	vm5 =	veq.s32 v3, $0xA;
	v4 =	vsel vm2, v4, v5  }
0x204: {  	v4 =	vsel vm5, s31, v4  }
0x205: {  	s15 =	sadd.s32 $0x1, s15;
	v4 =	vsel vm3, s25, v4  }
0x206: {  	s16 =	sshll.u32 s16, $0x4;
	p0 =	sne.s32 s15, $0x5;
	v4 =	vnsel vm4, s28, v4  }
.Ltmp6:
0x207: {  	s16 =	sadd.s32 s3, s16;
	[tilespmem:$0x16000] =	vst v4;
	(pc) =	sbr.rel @p0 .LBB2_2-.Ltmp6, $4  }
0x208: {  	[hbm4b:s16+s4] =	stream.linear.scatter [tilespmem:s12], [sflag:$0x3], $0x80, $0x38;
	[tilespmem:$0x16080] =	vst v63  }
0x209: {  	_ =	swait.ge [sflag:s13], $0x80  }
0x20a: {  	[sflag:s13] =	ssyncset.done $0x0  }
0x20b: {  	[sflag:s13] =	ssyncadd.s32 $0xFFFFFF80  }
0x20c: {  	s14 =	sadd.s32 $0x1, s14  }
0x20d: {  	p0 =	sne.s32 s14, s6  }
.Ltmp7:
0x20e: {  	_ = 	snop;
	(pc) =	sbr.rel @p0 .LBB2_1-.Ltmp7, $1  }
0x20f: {  	_ =	sdelay $0x3  }
0x210: {  	_ =	sfence.sel $0x180000  }
0x211: {  	[bflag:$0x0] =	sbarrier.arrive $0xFFFF  }
0x212: {  	p0 =	sne.s32 s1, $0x0;
	_ =	strace $0x90000047  }
0x213: {  	s0 =	sadd.s32 @!p0 $0x100000, s0;
	[bflag:$0x2] =	sbarrier.arrive $0xFFFF  }
0x214: {  	[sflag:s0] =	ssyncadd.tile.s32 @!p0 $0x1;
	_ =	shalt  }
.Lfunc_end2:
_tile_overlayer_lowered:
.L_overlay_start_2:
0x215: {  	(tag) =	ssettag $0x2  }
0x216: {  	s0 =	rddreg [dreg:$0x0];
	s2 =	stileid.u32  }
0x217: {  	s1 =	rddreg [dreg:$0x1];
	p0 =	sne.s32 s2, $0x0  }
0x218: {  	s3 =	rddreg [dreg:$0x2];
	[bflag:$0x3] =	sbarrier.arrive $0xFFFF;
	s2 =	simm.s32 @!p0 $0x1C03  }
0x219: {  	[timem:s3], [sflag:s2] =	dma.local @!p0 [hbm:s0], s1  }
0x21a: {  	s0 =	simm.s32 @!p0 $0x3  }
0x21b: {  	_ =	swait.ge @!p0 [sflag:s0], s1  }
0x21c: {  	s1 =	ssub.s32 @!p0 $0x0, s1;
	[sflag:s0] =	ssyncset.done @!p0 $0x0  }
0x21d: {  	[sflag:s0] =	ssyncadd.s32 @!p0 s1  }
0x21e: {  	[bflag:$0x3] =	sbarrier.arrive $0xFFFF  }
0x21f: {  	_ =	shalt  }

</sc_bundles>
